<compile_context>
chip_gen: v7x
topology: tpu7x:2x2x1
jax: 0.10.2.dev20260603
libtpu: 0.0.44.dev20260713+nightly
codegen_flags: <defaults>
</compile_context>

<pallas_src>
import functools

import jax
import jax.numpy as jnp
from jax import lax
from jax.experimental import pallas as pl
from jax.experimental.pallas import tpu as pltpu
from jax.experimental.pallas import tpu_sc as plsc

N = 10000
D_IN = 128
DH = 16
NCLS = 10
DW = 128

NC = 2
NS = 16
NW = NC * NS
CH = 128
N_PAD = 10112
RPS = N_PAD // NS


@functools.lru_cache(maxsize=None)
def _make_agg(kpw: int):

    @functools.partial(
        pl.kernel,
        out_type=jax.ShapeDtypeStruct((NC, N_PAD, DW), jnp.float32),
        mesh=plsc.VectorSubcoreMesh(core_axis_name="c", subcore_axis_name="s"),
        scratch_types=[
            pltpu.VMEM((kpw, CH), jnp.int32),
            pltpu.VMEM((kpw, CH), jnp.int32),
            pltpu.VMEM((CH, DW), jnp.float32),
            pltpu.VMEM_SHARED((N_PAD, DW), jnp.float32),
        ],
    )
    def agg(table, src3, dst3, out, src_v, dst_v, rows_v, acc):
        c = lax.axis_index("c")
        s = lax.axis_index("s")
        wid = c * NS + s
        r0 = s * RPS
        pltpu.sync_copy(src3.at[wid], src_v)
        pltpu.sync_copy(dst3.at[wid], dst_v)
        pltpu.sync_copy(table.at[pl.ds(r0, RPS)], acc.at[pl.ds(r0, RPS)])
        plsc.subcore_barrier()

        def body(j, carry):
            pltpu.sync_copy(table.at[src_v.at[j]], rows_v)
            pltpu.sync_copy(rows_v, acc.at[dst_v.at[j]], add=True)
            return carry

        lax.fori_loop(0, kpw, body, 0)
        plsc.subcore_barrier()
        pltpu.sync_copy(acc.at[pl.ds(r0, RPS)], out.at[c, pl.ds(r0, RPS)])

    return agg


def _mm_body(x_ref, w_ref, o_ref):
    o_ref[...] = jnp.dot(x_ref[...], w_ref[...],
                         preferred_element_type=jnp.float32)


def _matmul(x, w):
    m, k = x.shape
    n = w.shape[1]
    return pl.pallas_call(
        _mm_body,
        out_shape=jax.ShapeDtypeStruct((m, n), jnp.float32),
    )(x, w)


def _scale_body(d0, d1, g1, dinv_o, h1s_o):
    deg = d0[...] + d1[...] - 1.0
    dinv = lax.rsqrt(jnp.maximum(deg, 1.0))
    dinv_o[...] = dinv
    h1s_o[...] = g1[...] * dinv


def _scale(d0, d1, g1):
    return pl.pallas_call(
        _scale_body,
        out_shape=(jax.ShapeDtypeStruct((N_PAD, DW), jnp.float32),
                   jax.ShapeDtypeStruct((N_PAD, DW), jnp.float32)),
    )(d0, d1, g1)


def _mid_body(q0, q1, h1s, dinv, b1, w2, o):
    a = q0[...] + q1[...] - h1s[...]
    h1 = jnp.maximum(dinv[...] * a + b1[...], 0.0)
    o[...] = jnp.dot(h1, w2[...],
                     preferred_element_type=jnp.float32) * dinv[...]


def _mid(q0, q1, h1s, dinv, b1, w2p):
    return pl.pallas_call(
        _mid_body,
        out_shape=jax.ShapeDtypeStruct((N_PAD, DW), jnp.float32),
    )(q0, q1, h1s, dinv, b1, w2p)


def _out_body(r0, r1, h2s, dinv, b2, o):
    a = r0[...] + r1[...] - h2s[...]
    logits = dinv[...] * a + b2[...]
    col = lax.broadcasted_iota(jnp.int32, logits.shape, 1)
    valid = col < NCLS
    ml = jnp.where(valid, logits, jnp.float32(-1e30))
    m = jnp.max(ml, axis=1, keepdims=True)
    ex = jnp.where(valid, jnp.exp(logits - m), 0.0)
    lse = jnp.log(jnp.sum(ex, axis=1, keepdims=True))
    o[...] = logits - m - lse


def _out(r0, r1, h2s, dinv, b2p):
    return pl.pallas_call(
        _out_body,
        out_shape=jax.ShapeDtypeStruct((N_PAD, DW), jnp.float32),
    )(r0, r1, h2s, dinv, b2p)


def kernel(x, edge_index, W1, b1, W2, b2):
    e = edge_index.shape[1]
    kpw = -(-e // (NW * CH))
    e_pad = NW * CH * kpw

    ei = edge_index.astype(jnp.int32)
    pad = jnp.full((2, e_pad - e), N, dtype=jnp.int32)
    ei = jnp.concatenate([ei, pad], axis=1)
    src3 = ei[0].reshape(NW, kpw, CH)
    dst3 = ei[1].reshape(NW, kpw, CH)

    xp = jnp.zeros((N_PAD, D_IN), jnp.float32).at[:N].set(x)
    ones = jnp.ones((N_PAD, DW), jnp.float32)
    w1p = jnp.zeros((D_IN, DW), jnp.float32).at[:, :DH].set(W1)
    w2p = jnp.zeros((DW, DW), jnp.float32).at[:DH, :NCLS].set(W2)
    b1p = jnp.zeros((1, DW), jnp.float32).at[0, :DH].set(b1)
    b2p = jnp.zeros((1, DW), jnp.float32).at[0, :NCLS].set(b2)

    agg = _make_agg(kpw)

    deg_p = agg(ones, src3, dst3)
    g1 = _matmul(xp, w1p)
    dinv, h1s = _scale(deg_p[0], deg_p[1], g1)
    q = agg(h1s, src3, dst3)
    h2s = _mid(q[0], q[1], h1s, dinv, b1p, w2p)
    r = agg(h2s, src3, dst3)
    out = _out(r[0], r[1], h2s, dinv, b2p)
    return out[:N, :NCLS]

# --- scband reference (transcript-rebuilt; emitter-appended) ---
"""Pipeline reference for scband-gcn-11776800326010 (READ-ONLY COPY).

The authoritative reference and input builder live on the scoring server;
editing this copy changes nothing except your own understanding.
"""

import jax, jax.numpy as jnp
import numpy as np

N_NODES = 10000
N_EDGES = 320000
D_IN = 128
D_HID = 16
N_CLASSES = 10


def _gcn_conv(x, src, dst, W, b, n):
    # GCNConv (Kipf & Welling): D^{-1/2} (A + I) D^{-1/2} X W + b
    loop = jnp.arange(n, dtype=src.dtype)
    src_sl = jnp.concatenate([src, loop])
    dst_sl = jnp.concatenate([dst, loop])
    deg = jnp.zeros((n,), dtype=x.dtype).at[dst_sl].add(1.0)
    dinv = jax.lax.rsqrt(jnp.maximum(deg, 1.0))
    norm = dinv[src_sl] * dinv[dst_sl]
    h = x @ W
    msg = jnp.take(h, src_sl, axis=0) * norm[:, None]
    out = jax.ops.segment_sum(msg, dst_sl, num_segments=n)
    return out + b


def setup_inputs(seed: int = 0) -> dict:
    key = jax.random.key(seed)
    k1, k2, k3, k4, k5, k6 = jax.random.split(key, 6)
    x = jax.random.normal(k1, (N_NODES, D_IN), dtype=jnp.float32)
    edge_index = jax.random.randint(k2, (2, N_EDGES), 0, N_NODES, dtype=jnp.int64)
    W1 = jax.random.normal(k3, (D_IN, D_HID), dtype=jnp.float32) * (1.0 / np.sqrt(D_IN))
    b1 = jnp.zeros((D_HID,), dtype=jnp.float32)
    W2 = jax.random.normal(k4, (D_HID, N_CLASSES), dtype=jnp.float32) * (1.0 / np.sqrt(D_HID))
    b2 = jnp.zeros((N_CLASSES,), dtype=jnp.float32)
    return {"x": x, "edge_index": edge_index, "W1": W1, "b1": b1, "W2": W2, "b2": b2}


def reference(x, edge_index, W1, b1, W2, b2):
    n = x.shape[0]
    src = edge_index[0]
    dst = edge_index[1]
    h = _gcn_conv(x, src, dst, W1, b1, n)
    h = jax.nn.relu(h)
    # F.dropout with training=False (eval mode) is identity
    h = _gcn_conv(h, src, dst, W2, b2, n)
    return jax.nn.log_softmax(h, axis=1)

if __name__ == "__main__":
    import jax
    _d = setup_inputs()
    print(jax.jit(kernel)(*tuple(_d.values())))

</pallas_src>

<mosaic_0001>
#map = affine_map<(d0, d1) -> (0, 0)>
#map1 = affine_map<(d0, d1) -> (0, 0, 0)>
module attributes {stable_mosaic.version = 14 : i64} {
  func.func @agg(%arg0: i32, %arg1: i32, %arg2: memref<10112x128xf32, #tpu.memory_space<hbm>>, %arg3: memref<32x79x128xi32, #tpu.memory_space<hbm>>, %arg4: memref<32x79x128xi32, #tpu.memory_space<hbm>>, %arg5: memref<2x10112x128xf32, #tpu.memory_space<hbm>>, %arg6: memref<79x128xi32, #tpu.memory_space<vmem>>, %arg7: memref<79x128xi32, #tpu.memory_space<vmem>>, %arg8: memref<128x128xf32, #tpu.memory_space<vmem>>, %arg9: memref<10112x128xf32, #tpu.memory_space<vmem_shared>>) attributes {dimension_semantics = [#tpu.dimension_semantics<core_parallel>, #tpu.dimension_semantics<subcore_parallel>], iteration_bounds = array<i64: 2, 16>, scalar_prefetch = 0 : i64, scratch_operands = 4 : i64, tpu.core_type = #tpu.core_type<sc_vector_subcore>, window_params = [{transform_indices = #map}, {transform_indices = #map1}, {transform_indices = #map1}, {transform_indices = #map1}]} {
    %mul3A = arith.constant 16 : i32
    %mul3A_0 = arith.muli %arg0, %mul3A : i32
    %add3A = arith.addi %mul3A_0, %arg1 : i32
    %mul3A_1 = arith.constant 632 : i32
    %mul3A_2 = arith.muli %arg1, %mul3A_1 : i32
    "tpu.region"() ({
      %run_scoped3A = tpu.sem_alloc : memref<!tpu.dma_semaphore, #tpu.memory_space<semaphore_mem>>
      %dma_start3A = arith.constant 0 : i32
      %dma_start3A_9 = arith.constant 0 : i32
      %dma_start3A_10 = tpu.memref_slice %arg3[%add3A, %dma_start3A, %dma_start3A_9] : memref<32x79x128xi32, #tpu.memory_space<hbm>> -> memref<1x79x128xi32, #tpu.memory_space<hbm>>
      %dma_start3A_11 = tpu.memref_squeeze %dma_start3A_10 : memref<1x79x128xi32, #tpu.memory_space<hbm>> -> memref<79x128xi32, #tpu.memory_space<hbm>>
      %dma_start3A_12 = arith.constant 0 : i32
      %dma_start3A_13 = arith.constant 0 : i32
      %dma_start3A_14 = tpu.memref_slice %arg3[%add3A, %dma_start3A_12, %dma_start3A_13] : memref<32x79x128xi32, #tpu.memory_space<hbm>> -> memref<1x79x128xi32, #tpu.memory_space<hbm>>
      %dma_start3A_15 = tpu.memref_squeeze %dma_start3A_14 : memref<1x79x128xi32, #tpu.memory_space<hbm>> -> memref<79x128xi32, #tpu.memory_space<hbm>>
      tpu.enqueue_dma source(%dma_start3A_15 : memref<79x128xi32, #tpu.memory_space<hbm>>) target(%arg6 : memref<79x128xi32, #tpu.memory_space<vmem>>) target_semaphore(%run_scoped3A : memref<!tpu.dma_semaphore, #tpu.memory_space<semaphore_mem>>)
      %dma_wait3A = arith.constant 0 : i32
      %dma_wait3A_16 = arith.constant 0 : i32
      %dma_wait3A_17 = tpu.memref_slice %arg3[%add3A, %dma_wait3A, %dma_wait3A_16] : memref<32x79x128xi32, #tpu.memory_space<hbm>> -> memref<1x79x128xi32, #tpu.memory_space<hbm>>
      %dma_wait3A_18 = tpu.memref_squeeze %dma_wait3A_17 : memref<1x79x128xi32, #tpu.memory_space<hbm>> -> memref<79x128xi32, #tpu.memory_space<hbm>>
      %dma_wait3A_19 = arith.constant 0 : i32
      %dma_wait3A_20 = arith.constant 0 : i32
      %dma_wait3A_21 = tpu.memref_slice %arg3[%add3A, %dma_wait3A_19, %dma_wait3A_20] : memref<32x79x128xi32, #tpu.memory_space<hbm>> -> memref<1x79x128xi32, #tpu.memory_space<hbm>>
      %dma_wait3A_22 = tpu.memref_squeeze %dma_wait3A_21 : memref<1x79x128xi32, #tpu.memory_space<hbm>> -> memref<79x128xi32, #tpu.memory_space<hbm>>
      tpu.wait_dma2 semaphore(%run_scoped3A : memref<!tpu.dma_semaphore, #tpu.memory_space<semaphore_mem>>) src(%dma_wait3A_22 : memref<79x128xi32, #tpu.memory_space<hbm>>) dst(%arg6 : memref<79x128xi32, #tpu.memory_space<vmem>>)
      tpu.yield
    }) : () -> ()
    "tpu.region"() ({
      %run_scoped3A = tpu.sem_alloc : memref<!tpu.dma_semaphore, #tpu.memory_space<semaphore_mem>>
      %dma_start3A = arith.constant 0 : i32
      %dma_start3A_9 = arith.constant 0 : i32
      %dma_start3A_10 = tpu.memref_slice %arg4[%add3A, %dma_start3A, %dma_start3A_9] : memref<32x79x128xi32, #tpu.memory_space<hbm>> -> memref<1x79x128xi32, #tpu.memory_space<hbm>>
      %dma_start3A_11 = tpu.memref_squeeze %dma_start3A_10 : memref<1x79x128xi32, #tpu.memory_space<hbm>> -> memref<79x128xi32, #tpu.memory_space<hbm>>
      %dma_start3A_12 = arith.constant 0 : i32
      %dma_start3A_13 = arith.constant 0 : i32
      %dma_start3A_14 = tpu.memref_slice %arg4[%add3A, %dma_start3A_12, %dma_start3A_13] : memref<32x79x128xi32, #tpu.memory_space<hbm>> -> memref<1x79x128xi32, #tpu.memory_space<hbm>>
      %dma_start3A_15 = tpu.memref_squeeze %dma_start3A_14 : memref<1x79x128xi32, #tpu.memory_space<hbm>> -> memref<79x128xi32, #tpu.memory_space<hbm>>
      tpu.enqueue_dma source(%dma_start3A_15 : memref<79x128xi32, #tpu.memory_space<hbm>>) target(%arg7 : memref<79x128xi32, #tpu.memory_space<vmem>>) target_semaphore(%run_scoped3A : memref<!tpu.dma_semaphore, #tpu.memory_space<semaphore_mem>>)
      %dma_wait3A = arith.constant 0 : i32
      %dma_wait3A_16 = arith.constant 0 : i32
      %dma_wait3A_17 = tpu.memref_slice %arg4[%add3A, %dma_wait3A, %dma_wait3A_16] : memref<32x79x128xi32, #tpu.memory_space<hbm>> -> memref<1x79x128xi32, #tpu.memory_space<hbm>>
      %dma_wait3A_18 = tpu.memref_squeeze %dma_wait3A_17 : memref<1x79x128xi32, #tpu.memory_space<hbm>> -> memref<79x128xi32, #tpu.memory_space<hbm>>
      %dma_wait3A_19 = arith.constant 0 : i32
      %dma_wait3A_20 = arith.constant 0 : i32
      %dma_wait3A_21 = tpu.memref_slice %arg4[%add3A, %dma_wait3A_19, %dma_wait3A_20] : memref<32x79x128xi32, #tpu.memory_space<hbm>> -> memref<1x79x128xi32, #tpu.memory_space<hbm>>
      %dma_wait3A_22 = tpu.memref_squeeze %dma_wait3A_21 : memref<1x79x128xi32, #tpu.memory_space<hbm>> -> memref<79x128xi32, #tpu.memory_space<hbm>>
      tpu.wait_dma2 semaphore(%run_scoped3A : memref<!tpu.dma_semaphore, #tpu.memory_space<semaphore_mem>>) src(%dma_wait3A_22 : memref<79x128xi32, #tpu.memory_space<hbm>>) dst(%arg7 : memref<79x128xi32, #tpu.memory_space<vmem>>)
      tpu.yield
    }) : () -> ()
    "tpu.region"() ({
      %run_scoped3A = tpu.sem_alloc : memref<!tpu.dma_semaphore, #tpu.memory_space<semaphore_mem>>
      %dma_start3A = arith.constant 0 : i32
      %dma_start3A_9 = tpu.memref_slice %arg9[%mul3A_2, %dma_start3A] : memref<10112x128xf32, #tpu.memory_space<vmem_shared>> -> memref<632x128xf32, #tpu.memory_space<vmem_shared>>
      %dma_start3A_10 = arith.constant 0 : i32
      %dma_start3A_11 = tpu.memref_slice %arg2[%mul3A_2, %dma_start3A_10] : memref<10112x128xf32, #tpu.memory_space<hbm>> -> memref<632x128xf32, #tpu.memory_space<hbm>>
      tpu.enqueue_dma source(%dma_start3A_11 : memref<632x128xf32, #tpu.memory_space<hbm>>) target(%dma_start3A_9 : memref<632x128xf32, #tpu.memory_space<vmem_shared>>) target_semaphore(%run_scoped3A : memref<!tpu.dma_semaphore, #tpu.memory_space<semaphore_mem>>)
      %dma_wait3A = arith.constant 0 : i32
      %dma_wait3A_12 = tpu.memref_slice %arg9[%mul3A_2, %dma_wait3A] : memref<10112x128xf32, #tpu.memory_space<vmem_shared>> -> memref<632x128xf32, #tpu.memory_space<vmem_shared>>
      %dma_wait3A_13 = arith.constant 0 : i32
      %dma_wait3A_14 = tpu.memref_slice %arg2[%mul3A_2, %dma_wait3A_13] : memref<10112x128xf32, #tpu.memory_space<hbm>> -> memref<632x128xf32, #tpu.memory_space<hbm>>
      tpu.wait_dma2 semaphore(%run_scoped3A : memref<!tpu.dma_semaphore, #tpu.memory_space<semaphore_mem>>) src(%dma_wait3A_14 : memref<632x128xf32, #tpu.memory_space<hbm>>) dst(%dma_wait3A_12 : memref<632x128xf32, #tpu.memory_space<vmem_shared>>)
      tpu.yield
    }) : () -> ()
    %barrier3A = arith.constant 0 : index
    tpu.barrier barrier_id(%barrier3A)
    %scan3A = arith.constant 0 : i32
    %scan3A_3 = arith.constant 0 : i32
    %scan3A_4 = arith.constant 79 : i32
    %scan3A_5 = arith.addi %scan3A_3, %scan3A_4 : i32
    %scan3A_6 = arith.constant 1 : i32
    scf.for %scan3A_9 = %scan3A_3 to %scan3A_5 step %scan3A_6  : i32 {
      "tpu.region"() ({
        %run_scoped3A = tpu.sem_alloc : memref<!tpu.dma_semaphore, #tpu.memory_space<semaphore_mem>>
        %dma_start3A = arith.constant 0 : i32
        %dma_start3A_10 = tpu.memref_slice %arg6[%scan3A_9, %dma_start3A] : memref<79x128xi32, #tpu.memory_space<vmem>> -> memref<1x128xi32, #tpu.memory_space<vmem>>
        %dma_start3A_11 = tpu.memref_squeeze %dma_start3A_10 : memref<1x128xi32, #tpu.memory_space<vmem>> -> memref<128xi32, #tpu.memory_space<vmem>>
        %dma_start3A_12 = arith.constant 0 : i32
        %dma_start3A_13 = arith.constant 0 : i32
        %dma_start3A_14 = tpu.memref_slice %arg2[%dma_start3A_12, %dma_start3A_13] : memref<10112x128xf32, #tpu.memory_space<hbm>> -> memref<10112x128xf32, #tpu.memory_space<hbm>>
        tpu.enqueue_indirect_dma source(%dma_start3A_14 : memref<10112x128xf32, #tpu.memory_space<hbm>>) target(%arg8 : memref<128x128xf32, #tpu.memory_space<vmem>>) offsets(%dma_start3A_11 : memref<128xi32, #tpu.memory_space<vmem>>) semaphore(%run_scoped3A : memref<!tpu.dma_semaphore, #tpu.memory_space<semaphore_mem>>)
        %dma_wait3A = arith.constant 0 : i32
        %dma_wait3A_15 = tpu.memref_slice %arg6[%scan3A_9, %dma_wait3A] : memref<79x128xi32, #tpu.memory_space<vmem>> -> memref<1x128xi32, #tpu.memory_space<vmem>>
        %dma_wait3A_16 = tpu.memref_squeeze %dma_wait3A_15 : memref<1x128xi32, #tpu.memory_space<vmem>> -> memref<128xi32, #tpu.memory_space<vmem>>
        %dma_wait3A_17 = arith.constant 0 : i32
        %dma_wait3A_18 = arith.constant 0 : i32
        %dma_wait3A_19 = tpu.memref_slice %arg2[%dma_wait3A_17, %dma_wait3A_18] : memref<10112x128xf32, #tpu.memory_space<hbm>> -> memref<10112x128xf32, #tpu.memory_space<hbm>>
        tpu.wait_indirect_dma semaphore(%run_scoped3A : memref<!tpu.dma_semaphore, #tpu.memory_space<semaphore_mem>>) src(%dma_wait3A_19 : memref<10112x128xf32, #tpu.memory_space<hbm>>) dst(%arg8 : memref<128x128xf32, #tpu.memory_space<vmem>>)
        tpu.yield
      }) : () -> ()
      "tpu.region"() ({
        %run_scoped3A = tpu.sem_alloc : memref<!tpu.dma_semaphore, #tpu.memory_space<semaphore_mem>>
        %dma_start3A = arith.constant 0 : i32
        %dma_start3A_10 = tpu.memref_slice %arg7[%scan3A_9, %dma_start3A] : memref<79x128xi32, #tpu.memory_space<vmem>> -> memref<1x128xi32, #tpu.memory_space<vmem>>
        %dma_start3A_11 = tpu.memref_squeeze %dma_start3A_10 : memref<1x128xi32, #tpu.memory_space<vmem>> -> memref<128xi32, #tpu.memory_space<vmem>>
        %dma_start3A_12 = arith.constant 0 : i32
        %dma_start3A_13 = arith.constant 0 : i32
        %dma_start3A_14 = tpu.memref_slice %arg9[%dma_start3A_12, %dma_start3A_13] : memref<10112x128xf32, #tpu.memory_space<vmem_shared>> -> memref<10112x128xf32, #tpu.memory_space<vmem_shared>>
        tpu.enqueue_indirect_dma source(%arg8 : memref<128x128xf32, #tpu.memory_space<vmem>>) target(%dma_start3A_14 : memref<10112x128xf32, #tpu.memory_space<vmem_shared>>) offsets(%dma_start3A_11 : memref<128xi32, #tpu.memory_space<vmem>>) semaphore(%run_scoped3A : memref<!tpu.dma_semaphore, #tpu.memory_space<semaphore_mem>>) {add = true}
        %dma_wait3A = arith.constant 0 : i32
        %dma_wait3A_15 = tpu.memref_slice %arg7[%scan3A_9, %dma_wait3A] : memref<79x128xi32, #tpu.memory_space<vmem>> -> memref<1x128xi32, #tpu.memory_space<vmem>>
        %dma_wait3A_16 = tpu.memref_squeeze %dma_wait3A_15 : memref<1x128xi32, #tpu.memory_space<vmem>> -> memref<128xi32, #tpu.memory_space<vmem>>
        %dma_wait3A_17 = arith.constant 0 : i32
        %dma_wait3A_18 = arith.constant 0 : i32
        %dma_wait3A_19 = tpu.memref_slice %arg9[%dma_wait3A_17, %dma_wait3A_18] : memref<10112x128xf32, #tpu.memory_space<vmem_shared>> -> memref<10112x128xf32, #tpu.memory_space<vmem_shared>>
        tpu.wait_indirect_dma semaphore(%run_scoped3A : memref<!tpu.dma_semaphore, #tpu.memory_space<semaphore_mem>>) src(%arg8 : memref<128x128xf32, #tpu.memory_space<vmem>>) dst(%dma_wait3A_19 : memref<10112x128xf32, #tpu.memory_space<vmem_shared>>)
        tpu.yield
      }) : () -> ()
    }
    %scan3A_7 = arith.constant 79 : i32
    %barrier3A_8 = arith.constant 0 : index
    tpu.barrier barrier_id(%barrier3A_8)
    "tpu.region"() ({
      %run_scoped3A = tpu.sem_alloc : memref<!tpu.dma_semaphore, #tpu.memory_space<semaphore_mem>>
      %dma_start3A = arith.constant 0 : i32
      %dma_start3A_9 = tpu.memref_slice %arg5[%arg0, %mul3A_2, %dma_start3A] : memref<2x10112x128xf32, #tpu.memory_space<hbm>> -> memref<1x632x128xf32, #tpu.memory_space<hbm>>
      %dma_start3A_10 = tpu.memref_squeeze %dma_start3A_9 : memref<1x632x128xf32, #tpu.memory_space<hbm>> -> memref<632x128xf32, #tpu.memory_space<hbm>>
      %dma_start3A_11 = arith.constant 0 : i32
      %dma_start3A_12 = tpu.memref_slice %arg9[%mul3A_2, %dma_start3A_11] : memref<10112x128xf32, #tpu.memory_space<vmem_shared>> -> memref<632x128xf32, #tpu.memory_space<vmem_shared>>
      tpu.enqueue_dma source(%dma_start3A_12 : memref<632x128xf32, #tpu.memory_space<vmem_shared>>) target(%dma_start3A_10 : memref<632x128xf32, #tpu.memory_space<hbm>>) target_semaphore(%run_scoped3A : memref<!tpu.dma_semaphore, #tpu.memory_space<semaphore_mem>>)
      %dma_wait3A = arith.constant 0 : i32
      %dma_wait3A_13 = tpu.memref_slice %arg5[%arg0, %mul3A_2, %dma_wait3A] : memref<2x10112x128xf32, #tpu.memory_space<hbm>> -> memref<1x632x128xf32, #tpu.memory_space<hbm>>
      %dma_wait3A_14 = tpu.memref_squeeze %dma_wait3A_13 : memref<1x632x128xf32, #tpu.memory_space<hbm>> -> memref<632x128xf32, #tpu.memory_space<hbm>>
      %dma_wait3A_15 = arith.constant 0 : i32
      %dma_wait3A_16 = tpu.memref_slice %arg9[%mul3A_2, %dma_wait3A_15] : memref<10112x128xf32, #tpu.memory_space<vmem_shared>> -> memref<632x128xf32, #tpu.memory_space<vmem_shared>>
      tpu.wait_dma2 semaphore(%run_scoped3A : memref<!tpu.dma_semaphore, #tpu.memory_space<semaphore_mem>>) src(%dma_wait3A_16 : memref<632x128xf32, #tpu.memory_space<vmem_shared>>) dst(%dma_wait3A_14 : memref<632x128xf32, #tpu.memory_space<hbm>>)
      tpu.yield
    }) : () -> ()
    return
  }
}

#map = affine_map<(d0, d1) -> (0, 0)>
#map1 = affine_map<(d0, d1) -> (0, 0, 0)>
module attributes {stable_mosaic.version = 14 : i64} {
  func.func @agg(%arg0: i32, %arg1: i32, %arg2: memref<10112x128xf32, #tpu.memory_space<hbm>>, %arg3: memref<32x79x128xi32, #tpu.memory_space<hbm>>, %arg4: memref<32x79x128xi32, #tpu.memory_space<hbm>>, %arg5: memref<2x10112x128xf32, #tpu.memory_space<hbm>>, %arg6: memref<79x128xi32, #tpu.memory_space<vmem>>, %arg7: memref<79x128xi32, #tpu.memory_space<vmem>>, %arg8: memref<128x128xf32, #tpu.memory_space<vmem>>, %arg9: memref<10112x128xf32, #tpu.memory_space<vmem_shared>>) attributes {dimension_semantics = [#tpu.dimension_semantics<core_parallel>, #tpu.dimension_semantics<subcore_parallel>], iteration_bounds = array<i64: 2, 16>, scalar_prefetch = 0 : i64, scratch_operands = 4 : i64, tpu.core_type = #tpu.core_type<sc_vector_subcore>, window_params = [{transform_indices = #map}, {transform_indices = #map1}, {transform_indices = #map1}, {transform_indices = #map1}]} {
    %mul3A = arith.constant 16 : i32
    %mul3A_0 = arith.muli %arg0, %mul3A : i32
    %add3A = arith.addi %mul3A_0, %arg1 : i32
    %mul3A_1 = arith.constant 632 : i32
    %mul3A_2 = arith.muli %arg1, %mul3A_1 : i32
    "tpu.region"() ({
      %run_scoped3A = tpu.sem_alloc : memref<!tpu.dma_semaphore, #tpu.memory_space<semaphore_mem>>
      %dma_start3A = arith.constant 0 : i32
      %dma_start3A_9 = arith.constant 0 : i32
      %dma_start3A_10 = tpu.memref_slice %arg3[%add3A, %dma_start3A, %dma_start3A_9] : memref<32x79x128xi32, #tpu.memory_space<hbm>> -> memref<1x79x128xi32, #tpu.memory_space<hbm>>
      %dma_start3A_11 = tpu.memref_squeeze %dma_start3A_10 : memref<1x79x128xi32, #tpu.memory_space<hbm>> -> memref<79x128xi32, #tpu.memory_space<hbm>>
      %dma_start3A_12 = arith.constant 0 : i32
      %dma_start3A_13 = arith.constant 0 : i32
      %dma_start3A_14 = tpu.memref_slice %arg3[%add3A, %dma_start3A_12, %dma_start3A_13] : memref<32x79x128xi32, #tpu.memory_space<hbm>> -> memref<1x79x128xi32, #tpu.memory_space<hbm>>
      %dma_start3A_15 = tpu.memref_squeeze %dma_start3A_14 : memref<1x79x128xi32, #tpu.memory_space<hbm>> -> memref<79x128xi32, #tpu.memory_space<hbm>>
      tpu.enqueue_dma source(%dma_start3A_15 : memref<79x128xi32, #tpu.memory_space<hbm>>) target(%arg6 : memref<79x128xi32, #tpu.memory_space<vmem>>) target_semaphore(%run_scoped3A : memref<!tpu.dma_semaphore, #tpu.memory_space<semaphore_mem>>)
      %dma_wait3A = arith.constant 0 : i32
      %dma_wait3A_16 = arith.constant 0 : i32
      %dma_wait3A_17 = tpu.memref_slice %arg3[%add3A, %dma_wait3A, %dma_wait3A_16] : memref<32x79x128xi32, #tpu.memory_space<hbm>> -> memref<1x79x128xi32, #tpu.memory_space<hbm>>
      %dma_wait3A_18 = tpu.memref_squeeze %dma_wait3A_17 : memref<1x79x128xi32, #tpu.memory_space<hbm>> -> memref<79x128xi32, #tpu.memory_space<hbm>>
      %dma_wait3A_19 = arith.constant 0 : i32
      %dma_wait3A_20 = arith.constant 0 : i32
      %dma_wait3A_21 = tpu.memref_slice %arg3[%add3A, %dma_wait3A_19, %dma_wait3A_20] : memref<32x79x128xi32, #tpu.memory_space<hbm>> -> memref<1x79x128xi32, #tpu.memory_space<hbm>>
      %dma_wait3A_22 = tpu.memref_squeeze %dma_wait3A_21 : memref<1x79x128xi32, #tpu.memory_space<hbm>> -> memref<79x128xi32, #tpu.memory_space<hbm>>
      tpu.wait_dma2 semaphore(%run_scoped3A : memref<!tpu.dma_semaphore, #tpu.memory_space<semaphore_mem>>) src(%dma_wait3A_22 : memref<79x128xi32, #tpu.memory_space<hbm>>) dst(%arg6 : memref<79x128xi32, #tpu.memory_space<vmem>>)
      tpu.yield
    }) : () -> ()
    "tpu.region"() ({
      %run_scoped3A = tpu.sem_alloc : memref<!tpu.dma_semaphore, #tpu.memory_space<semaphore_mem>>
      %dma_start3A = arith.constant 0 : i32
      %dma_start3A_9 = arith.constant 0 : i32
      %dma_start3A_10 = tpu.memref_slice %arg4[%add3A, %dma_start3A, %dma_start3A_9] : memref<32x79x128xi32, #tpu.memory_space<hbm>> -> memref<1x79x128xi32, #tpu.memory_space<hbm>>
      %dma_start3A_11 = tpu.memref_squeeze %dma_start3A_10 : memref<1x79x128xi32, #tpu.memory_space<hbm>> -> memref<79x128xi32, #tpu.memory_space<hbm>>
      %dma_start3A_12 = arith.constant 0 : i32
      %dma_start3A_13 = arith.constant 0 : i32
      %dma_start3A_14 = tpu.memref_slice %arg4[%add3A, %dma_start3A_12, %dma_start3A_13] : memref<32x79x128xi32, #tpu.memory_space<hbm>> -> memref<1x79x128xi32, #tpu.memory_space<hbm>>
      %dma_start3A_15 = tpu.memref_squeeze %dma_start3A_14 : memref<1x79x128xi32, #tpu.memory_space<hbm>> -> memref<79x128xi32, #tpu.memory_space<hbm>>
      tpu.enqueue_dma source(%dma_start3A_15 : memref<79x128xi32, #tpu.memory_space<hbm>>) target(%arg7 : memref<79x128xi32, #tpu.memory_space<vmem>>) target_semaphore(%run_scoped3A : memref<!tpu.dma_semaphore, #tpu.memory_space<semaphore_mem>>)
      %dma_wait3A = arith.constant 0 : i32
      %dma_wait3A_16 = arith.constant 0 : i32
      %dma_wait3A_17 = tpu.memref_slice %arg4[%add3A, %dma_wait3A, %dma_wait3A_16] : memref<32x79x128xi32, #tpu.memory_space<hbm>> -> memref<1x79x128xi32, #tpu.memory_space<hbm>>
      %dma_wait3A_18 = tpu.memref_squeeze %dma_wait3A_17 : memref<1x79x128xi32, #tpu.memory_space<hbm>> -> memref<79x128xi32, #tpu.memory_space<hbm>>
      %dma_wait3A_19 = arith.constant 0 : i32
      %dma_wait3A_20 = arith.constant 0 : i32
      %dma_wait3A_21 = tpu.memref_slice %arg4[%add3A, %dma_wait3A_19, %dma_wait3A_20] : memref<32x79x128xi32, #tpu.memory_space<hbm>> -> memref<1x79x128xi32, #tpu.memory_space<hbm>>
      %dma_wait3A_22 = tpu.memref_squeeze %dma_wait3A_21 : memref<1x79x128xi32, #tpu.memory_space<hbm>> -> memref<79x128xi32, #tpu.memory_space<hbm>>
      tpu.wait_dma2 semaphore(%run_scoped3A : memref<!tpu.dma_semaphore, #tpu.memory_space<semaphore_mem>>) src(%dma_wait3A_22 : memref<79x128xi32, #tpu.memory_space<hbm>>) dst(%arg7 : memref<79x128xi32, #tpu.memory_space<vmem>>)
      tpu.yield
    }) : () -> ()
    "tpu.region"() ({
      %run_scoped3A = tpu.sem_alloc : memref<!tpu.dma_semaphore, #tpu.memory_space<semaphore_mem>>
      %dma_start3A = arith.constant 0 : i32
      %dma_start3A_9 = tpu.memref_slice %arg9[%mul3A_2, %dma_start3A] : memref<10112x128xf32, #tpu.memory_space<vmem_shared>> -> memref<632x128xf32, #tpu.memory_space<vmem_shared>>
      %dma_start3A_10 = arith.constant 0 : i32
      %dma_start3A_11 = tpu.memref_slice %arg2[%mul3A_2, %dma_start3A_10] : memref<10112x128xf32, #tpu.memory_space<hbm>> -> memref<632x128xf32, #tpu.memory_space<hbm>>
      tpu.enqueue_dma source(%dma_start3A_11 : memref<632x128xf32, #tpu.memory_space<hbm>>) target(%dma_start3A_9 : memref<632x128xf32, #tpu.memory_space<vmem_shared>>) target_semaphore(%run_scoped3A : memref<!tpu.dma_semaphore, #tpu.memory_space<semaphore_mem>>)
      %dma_wait3A = arith.constant 0 : i32
      %dma_wait3A_12 = tpu.memref_slice %arg9[%mul3A_2, %dma_wait3A] : memref<10112x128xf32, #tpu.memory_space<vmem_shared>> -> memref<632x128xf32, #tpu.memory_space<vmem_shared>>
      %dma_wait3A_13 = arith.constant 0 : i32
      %dma_wait3A_14 = tpu.memref_slice %arg2[%mul3A_2, %dma_wait3A_13] : memref<10112x128xf32, #tpu.memory_space<hbm>> -> memref<632x128xf32, #tpu.memory_space<hbm>>
      tpu.wait_dma2 semaphore(%run_scoped3A : memref<!tpu.dma_semaphore, #tpu.memory_space<semaphore_mem>>) src(%dma_wait3A_14 : memref<632x128xf32, #tpu.memory_space<hbm>>) dst(%dma_wait3A_12 : memref<632x128xf32, #tpu.memory_space<vmem_shared>>)
      tpu.yield
    }) : () -> ()
    %barrier3A = arith.constant 0 : index
    tpu.barrier barrier_id(%barrier3A)
    %scan3A = arith.constant 0 : i32
    %scan3A_3 = arith.constant 0 : i32
    %scan3A_4 = arith.constant 79 : i32
    %scan3A_5 = arith.addi %scan3A_3, %scan3A_4 : i32
    %scan3A_6 = arith.constant 1 : i32
    scf.for %scan3A_9 = %scan3A_3 to %scan3A_5 step %scan3A_6  : i32 {
      "tpu.region"() ({
        %run_scoped3A = tpu.sem_alloc : memref<!tpu.dma_semaphore, #tpu.memory_space<semaphore_mem>>
        %dma_start3A = arith.constant 0 : i32
        %dma_start3A_10 = tpu.memref_slice %arg6[%scan3A_9, %dma_start3A] : memref<79x128xi32, #tpu.memory_space<vmem>> -> memref<1x128xi32, #tpu.memory_space<vmem>>
        %dma_start3A_11 = tpu.memref_squeeze %dma_start3A_10 : memref<1x128xi32, #tpu.memory_space<vmem>> -> memref<128xi32, #tpu.memory_space<vmem>>
        %dma_start3A_12 = arith.constant 0 : i32
        %dma_start3A_13 = arith.constant 0 : i32
        %dma_start3A_14 = tpu.memref_slice %arg2[%dma_start3A_12, %dma_start3A_13] : memref<10112x128xf32, #tpu.memory_space<hbm>> -> memref<10112x128xf32, #tpu.memory_space<hbm>>
        tpu.enqueue_indirect_dma source(%dma_start3A_14 : memref<10112x128xf32, #tpu.memory_space<hbm>>) target(%arg8 : memref<128x128xf32, #tpu.memory_space<vmem>>) offsets(%dma_start3A_11 : memref<128xi32, #tpu.memory_space<vmem>>) semaphore(%run_scoped3A : memref<!tpu.dma_semaphore, #tpu.memory_space<semaphore_mem>>)
        %dma_wait3A = arith.constant 0 : i32
        %dma_wait3A_15 = tpu.memref_slice %arg6[%scan3A_9, %dma_wait3A] : memref<79x128xi32, #tpu.memory_space<vmem>> -> memref<1x128xi32, #tpu.memory_space<vmem>>
        %dma_wait3A_16 = tpu.memref_squeeze %dma_wait3A_15 : memref<1x128xi32, #tpu.memory_space<vmem>> -> memref<128xi32, #tpu.memory_space<vmem>>
        %dma_wait3A_17 = arith.constant 0 : i32
        %dma_wait3A_18 = arith.constant 0 : i32
        %dma_wait3A_19 = tpu.memref_slice %arg2[%dma_wait3A_17, %dma_wait3A_18] : memref<10112x128xf32, #tpu.memory_space<hbm>> -> memref<10112x128xf32, #tpu.memory_space<hbm>>
        tpu.wait_indirect_dma semaphore(%run_scoped3A : memref<!tpu.dma_semaphore, #tpu.memory_space<semaphore_mem>>) src(%dma_wait3A_19 : memref<10112x128xf32, #tpu.memory_space<hbm>>) dst(%arg8 : memref<128x128xf32, #tpu.memory_space<vmem>>)
        tpu.yield
      }) : () -> ()
      "tpu.region"() ({
        %run_scoped3A = tpu.sem_alloc : memref<!tpu.dma_semaphore, #tpu.memory_space<semaphore_mem>>
        %dma_start3A = arith.constant 0 : i32
        %dma_start3A_10 = tpu.memref_slice %arg7[%scan3A_9, %dma_start3A] : memref<79x128xi32, #tpu.memory_space<vmem>> -> memref<1x128xi32, #tpu.memory_space<vmem>>
        %dma_start3A_11 = tpu.memref_squeeze %dma_start3A_10 : memref<1x128xi32, #tpu.memory_space<vmem>> -> memref<128xi32, #tpu.memory_space<vmem>>
        %dma_start3A_12 = arith.constant 0 : i32
        %dma_start3A_13 = arith.constant 0 : i32
        %dma_start3A_14 = tpu.memref_slice %arg9[%dma_start3A_12, %dma_start3A_13] : memref<10112x128xf32, #tpu.memory_space<vmem_shared>> -> memref<10112x128xf32, #tpu.memory_space<vmem_shared>>
        tpu.enqueue_indirect_dma source(%arg8 : memref<128x128xf32, #tpu.memory_space<vmem>>) target(%dma_start3A_14 : memref<10112x128xf32, #tpu.memory_space<vmem_shared>>) offsets(%dma_start3A_11 : memref<128xi32, #tpu.memory_space<vmem>>) semaphore(%run_scoped3A : memref<!tpu.dma_semaphore, #tpu.memory_space<semaphore_mem>>) {add = true}
        %dma_wait3A = arith.constant 0 : i32
        %dma_wait3A_15 = tpu.memref_slice %arg7[%scan3A_9, %dma_wait3A] : memref<79x128xi32, #tpu.memory_space<vmem>> -> memref<1x128xi32, #tpu.memory_space<vmem>>
        %dma_wait3A_16 = tpu.memref_squeeze %dma_wait3A_15 : memref<1x128xi32, #tpu.memory_space<vmem>> -> memref<128xi32, #tpu.memory_space<vmem>>
        %dma_wait3A_17 = arith.constant 0 : i32
        %dma_wait3A_18 = arith.constant 0 : i32
        %dma_wait3A_19 = tpu.memref_slice %arg9[%dma_wait3A_17, %dma_wait3A_18] : memref<10112x128xf32, #tpu.memory_space<vmem_shared>> -> memref<10112x128xf32, #tpu.memory_space<vmem_shared>>
        tpu.wait_indirect_dma semaphore(%run_scoped3A : memref<!tpu.dma_semaphore, #tpu.memory_space<semaphore_mem>>) src(%arg8 : memref<128x128xf32, #tpu.memory_space<vmem>>) dst(%dma_wait3A_19 : memref<10112x128xf32, #tpu.memory_space<vmem_shared>>)
        tpu.yield
      }) : () -> ()
    }
    %scan3A_7 = arith.constant 79 : i32
    %barrier3A_8 = arith.constant 0 : index
    tpu.barrier barrier_id(%barrier3A_8)
    "tpu.region"() ({
      %run_scoped3A = tpu.sem_alloc : memref<!tpu.dma_semaphore, #tpu.memory_space<semaphore_mem>>
      %dma_start3A = arith.constant 0 : i32
      %dma_start3A_9 = tpu.memref_slice %arg5[%arg0, %mul3A_2, %dma_start3A] : memref<2x10112x128xf32, #tpu.memory_space<hbm>> -> memref<1x632x128xf32, #tpu.memory_space<hbm>>
      %dma_start3A_10 = tpu.memref_squeeze %dma_start3A_9 : memref<1x632x128xf32, #tpu.memory_space<hbm>> -> memref<632x128xf32, #tpu.memory_space<hbm>>
      %dma_start3A_11 = arith.constant 0 : i32
      %dma_start3A_12 = tpu.memref_slice %arg9[%mul3A_2, %dma_start3A_11] : memref<10112x128xf32, #tpu.memory_space<vmem_shared>> -> memref<632x128xf32, #tpu.memory_space<vmem_shared>>
      tpu.enqueue_dma source(%dma_start3A_12 : memref<632x128xf32, #tpu.memory_space<vmem_shared>>) target(%dma_start3A_10 : memref<632x128xf32, #tpu.memory_space<hbm>>) target_semaphore(%run_scoped3A : memref<!tpu.dma_semaphore, #tpu.memory_space<semaphore_mem>>)
      %dma_wait3A = arith.constant 0 : i32
      %dma_wait3A_13 = tpu.memref_slice %arg5[%arg0, %mul3A_2, %dma_wait3A] : memref<2x10112x128xf32, #tpu.memory_space<hbm>> -> memref<1x632x128xf32, #tpu.memory_space<hbm>>
      %dma_wait3A_14 = tpu.memref_squeeze %dma_wait3A_13 : memref<1x632x128xf32, #tpu.memory_space<hbm>> -> memref<632x128xf32, #tpu.memory_space<hbm>>
      %dma_wait3A_15 = arith.constant 0 : i32
      %dma_wait3A_16 = tpu.memref_slice %arg9[%mul3A_2, %dma_wait3A_15] : memref<10112x128xf32, #tpu.memory_space<vmem_shared>> -> memref<632x128xf32, #tpu.memory_space<vmem_shared>>
      tpu.wait_dma2 semaphore(%run_scoped3A : memref<!tpu.dma_semaphore, #tpu.memory_space<semaphore_mem>>) src(%dma_wait3A_16 : memref<632x128xf32, #tpu.memory_space<vmem_shared>>) dst(%dma_wait3A_14 : memref<632x128xf32, #tpu.memory_space<hbm>>)
      tpu.yield
    }) : () -> ()
    return
  }
}

#map = affine_map<(d0, d1) -> (0, 0)>
#map1 = affine_map<(d0, d1) -> (0, 0, 0)>
module attributes {stable_mosaic.version = 14 : i64} {
  func.func @agg(%arg0: i32, %arg1: i32, %arg2: memref<10112x128xf32, #tpu.memory_space<hbm>>, %arg3: memref<32x79x128xi32, #tpu.memory_space<hbm>>, %arg4: memref<32x79x128xi32, #tpu.memory_space<hbm>>, %arg5: memref<2x10112x128xf32, #tpu.memory_space<hbm>>, %arg6: memref<79x128xi32, #tpu.memory_space<vmem>>, %arg7: memref<79x128xi32, #tpu.memory_space<vmem>>, %arg8: memref<128x128xf32, #tpu.memory_space<vmem>>, %arg9: memref<10112x128xf32, #tpu.memory_space<vmem_shared>>) attributes {dimension_semantics = [#tpu.dimension_semantics<core_parallel>, #tpu.dimension_semantics<subcore_parallel>], iteration_bounds = array<i64: 2, 16>, scalar_prefetch = 0 : i64, scratch_operands = 4 : i64, tpu.core_type = #tpu.core_type<sc_vector_subcore>, window_params = [{transform_indices = #map}, {transform_indices = #map1}, {transform_indices = #map1}, {transform_indices = #map1}]} {
    %mul3A = arith.constant 16 : i32
    %mul3A_0 = arith.muli %arg0, %mul3A : i32
    %add3A = arith.addi %mul3A_0, %arg1 : i32
    %mul3A_1 = arith.constant 632 : i32
    %mul3A_2 = arith.muli %arg1, %mul3A_1 : i32
    "tpu.region"() ({
      %run_scoped3A = tpu.sem_alloc : memref<!tpu.dma_semaphore, #tpu.memory_space<semaphore_mem>>
      %dma_start3A = arith.constant 0 : i32
      %dma_start3A_9 = arith.constant 0 : i32
      %dma_start3A_10 = tpu.memref_slice %arg3[%add3A, %dma_start3A, %dma_start3A_9] : memref<32x79x128xi32, #tpu.memory_space<hbm>> -> memref<1x79x128xi32, #tpu.memory_space<hbm>>
      %dma_start3A_11 = tpu.memref_squeeze %dma_start3A_10 : memref<1x79x128xi32, #tpu.memory_space<hbm>> -> memref<79x128xi32, #tpu.memory_space<hbm>>
      %dma_start3A_12 = arith.constant 0 : i32
      %dma_start3A_13 = arith.constant 0 : i32
      %dma_start3A_14 = tpu.memref_slice %arg3[%add3A, %dma_start3A_12, %dma_start3A_13] : memref<32x79x128xi32, #tpu.memory_space<hbm>> -> memref<1x79x128xi32, #tpu.memory_space<hbm>>
      %dma_start3A_15 = tpu.memref_squeeze %dma_start3A_14 : memref<1x79x128xi32, #tpu.memory_space<hbm>> -> memref<79x128xi32, #tpu.memory_space<hbm>>
      tpu.enqueue_dma source(%dma_start3A_15 : memref<79x128xi32, #tpu.memory_space<hbm>>) target(%arg6 : memref<79x128xi32, #tpu.memory_space<vmem>>) target_semaphore(%run_scoped3A : memref<!tpu.dma_semaphore, #tpu.memory_space<semaphore_mem>>)
      %dma_wait3A = arith.constant 0 : i32
      %dma_wait3A_16 = arith.constant 0 : i32
      %dma_wait3A_17 = tpu.memref_slice %arg3[%add3A, %dma_wait3A, %dma_wait3A_16] : memref<32x79x128xi32, #tpu.memory_space<hbm>> -> memref<1x79x128xi32, #tpu.memory_space<hbm>>
      %dma_wait3A_18 = tpu.memref_squeeze %dma_wait3A_17 : memref<1x79x128xi32, #tpu.memory_space<hbm>> -> memref<79x128xi32, #tpu.memory_space<hbm>>
      %dma_wait3A_19 = arith.constant 0 : i32
      %dma_wait3A_20 = arith.constant 0 : i32
      %dma_wait3A_21 = tpu.memref_slice %arg3[%add3A, %dma_wait3A_19, %dma_wait3A_20] : memref<32x79x128xi32, #tpu.memory_space<hbm>> -> memref<1x79x128xi32, #tpu.memory_space<hbm>>
      %dma_wait3A_22 = tpu.memref_squeeze %dma_wait3A_21 : memref<1x79x128xi32, #tpu.memory_space<hbm>> -> memref<79x128xi32, #tpu.memory_space<hbm>>
      tpu.wait_dma2 semaphore(%run_scoped3A : memref<!tpu.dma_semaphore, #tpu.memory_space<semaphore_mem>>) src(%dma_wait3A_22 : memref<79x128xi32, #tpu.memory_space<hbm>>) dst(%arg6 : memref<79x128xi32, #tpu.memory_space<vmem>>)
      tpu.yield
    }) : () -> ()
    "tpu.region"() ({
      %run_scoped3A = tpu.sem_alloc : memref<!tpu.dma_semaphore, #tpu.memory_space<semaphore_mem>>
      %dma_start3A = arith.constant 0 : i32
      %dma_start3A_9 = arith.constant 0 : i32
      %dma_start3A_10 = tpu.memref_slice %arg4[%add3A, %dma_start3A, %dma_start3A_9] : memref<32x79x128xi32, #tpu.memory_space<hbm>> -> memref<1x79x128xi32, #tpu.memory_space<hbm>>
      %dma_start3A_11 = tpu.memref_squeeze %dma_start3A_10 : memref<1x79x128xi32, #tpu.memory_space<hbm>> -> memref<79x128xi32, #tpu.memory_space<hbm>>
      %dma_start3A_12 = arith.constant 0 : i32
      %dma_start3A_13 = arith.constant 0 : i32
      %dma_start3A_14 = tpu.memref_slice %arg4[%add3A, %dma_start3A_12, %dma_start3A_13] : memref<32x79x128xi32, #tpu.memory_space<hbm>> -> memref<1x79x128xi32, #tpu.memory_space<hbm>>
      %dma_start3A_15 = tpu.memref_squeeze %dma_start3A_14 : memref<1x79x128xi32, #tpu.memory_space<hbm>> -> memref<79x128xi32, #tpu.memory_space<hbm>>
      tpu.enqueue_dma source(%dma_start3A_15 : memref<79x128xi32, #tpu.memory_space<hbm>>) target(%arg7 : memref<79x128xi32, #tpu.memory_space<vmem>>) target_semaphore(%run_scoped3A : memref<!tpu.dma_semaphore, #tpu.memory_space<semaphore_mem>>)
      %dma_wait3A = arith.constant 0 : i32
      %dma_wait3A_16 = arith.constant 0 : i32
      %dma_wait3A_17 = tpu.memref_slice %arg4[%add3A, %dma_wait3A, %dma_wait3A_16] : memref<32x79x128xi32, #tpu.memory_space<hbm>> -> memref<1x79x128xi32, #tpu.memory_space<hbm>>
      %dma_wait3A_18 = tpu.memref_squeeze %dma_wait3A_17 : memref<1x79x128xi32, #tpu.memory_space<hbm>> -> memref<79x128xi32, #tpu.memory_space<hbm>>
      %dma_wait3A_19 = arith.constant 0 : i32
      %dma_wait3A_20 = arith.constant 0 : i32
      %dma_wait3A_21 = tpu.memref_slice %arg4[%add3A, %dma_wait3A_19, %dma_wait3A_20] : memref<32x79x128xi32, #tpu.memory_space<hbm>> -> memref<1x79x128xi32, #tpu.memory_space<hbm>>
      %dma_wait3A_22 = tpu.memref_squeeze %dma_wait3A_21 : memref<1x79x128xi32, #tpu.memory_space<hbm>> -> memref<79x128xi32, #tpu.memory_space<hbm>>
      tpu.wait_dma2 semaphore(%run_scoped3A : memref<!tpu.dma_semaphore, #tpu.memory_space<semaphore_mem>>) src(%dma_wait3A_22 : memref<79x128xi32, #tpu.memory_space<hbm>>) dst(%arg7 : memref<79x128xi32, #tpu.memory_space<vmem>>)
      tpu.yield
    }) : () -> ()
    "tpu.region"() ({
      %run_scoped3A = tpu.sem_alloc : memref<!tpu.dma_semaphore, #tpu.memory_space<semaphore_mem>>
      %dma_start3A = arith.constant 0 : i32
      %dma_start3A_9 = tpu.memref_slice %arg9[%mul3A_2, %dma_start3A] : memref<10112x128xf32, #tpu.memory_space<vmem_shared>> -> memref<632x128xf32, #tpu.memory_space<vmem_shared>>
      %dma_start3A_10 = arith.constant 0 : i32
      %dma_start3A_11 = tpu.memref_slice %arg2[%mul3A_2, %dma_start3A_10] : memref<10112x128xf32, #tpu.memory_space<hbm>> -> memref<632x128xf32, #tpu.memory_space<hbm>>
      tpu.enqueue_dma source(%dma_start3A_11 : memref<632x128xf32, #tpu.memory_space<hbm>>) target(%dma_start3A_9 : memref<632x128xf32, #tpu.memory_space<vmem_shared>>) target_semaphore(%run_scoped3A : memref<!tpu.dma_semaphore, #tpu.memory_space<semaphore_mem>>)
      %dma_wait3A = arith.constant 0 : i32
      %dma_wait3A_12 = tpu.memref_slice %arg9[%mul3A_2, %dma_wait3A] : memref<10112x128xf32, #tpu.memory_space<vmem_shared>> -> memref<632x128xf32, #tpu.memory_space<vmem_shared>>
      %dma_wait3A_13 = arith.constant 0 : i32
      %dma_wait3A_14 = tpu.memref_slice %arg2[%mul3A_2, %dma_wait3A_13] : memref<10112x128xf32, #tpu.memory_space<hbm>> -> memref<632x128xf32, #tpu.memory_space<hbm>>
      tpu.wait_dma2 semaphore(%run_scoped3A : memref<!tpu.dma_semaphore, #tpu.memory_space<semaphore_mem>>) src(%dma_wait3A_14 : memref<632x128xf32, #tpu.memory_space<hbm>>) dst(%dma_wait3A_12 : memref<632x128xf32, #tpu.memory_space<vmem_shared>>)
      tpu.yield
    }) : () -> ()
    %barrier3A = arith.constant 0 : index
    tpu.barrier barrier_id(%barrier3A)
    %scan3A = arith.constant 0 : i32
    %scan3A_3 = arith.constant 0 : i32
    %scan3A_4 = arith.constant 79 : i32
    %scan3A_5 = arith.addi %scan3A_3, %scan3A_4 : i32
    %scan3A_6 = arith.constant 1 : i32
    scf.for %scan3A_9 = %scan3A_3 to %scan3A_5 step %scan3A_6  : i32 {
      "tpu.region"() ({
        %run_scoped3A = tpu.sem_alloc : memref<!tpu.dma_semaphore, #tpu.memory_space<semaphore_mem>>
        %dma_start3A = arith.constant 0 : i32
        %dma_start3A_10 = tpu.memref_slice %arg6[%scan3A_9, %dma_start3A] : memref<79x128xi32, #tpu.memory_space<vmem>> -> memref<1x128xi32, #tpu.memory_space<vmem>>
        %dma_start3A_11 = tpu.memref_squeeze %dma_start3A_10 : memref<1x128xi32, #tpu.memory_space<vmem>> -> memref<128xi32, #tpu.memory_space<vmem>>
        %dma_start3A_12 = arith.constant 0 : i32
        %dma_start3A_13 = arith.constant 0 : i32
        %dma_start3A_14 = tpu.memref_slice %arg2[%dma_start3A_12, %dma_start3A_13] : memref<10112x128xf32, #tpu.memory_space<hbm>> -> memref<10112x128xf32, #tpu.memory_space<hbm>>
        tpu.enqueue_indirect_dma source(%dma_start3A_14 : memref<10112x128xf32, #tpu.memory_space<hbm>>) target(%arg8 : memref<128x128xf32, #tpu.memory_space<vmem>>) offsets(%dma_start3A_11 : memref<128xi32, #tpu.memory_space<vmem>>) semaphore(%run_scoped3A : memref<!tpu.dma_semaphore, #tpu.memory_space<semaphore_mem>>)
        %dma_wait3A = arith.constant 0 : i32
        %dma_wait3A_15 = tpu.memref_slice %arg6[%scan3A_9, %dma_wait3A] : memref<79x128xi32, #tpu.memory_space<vmem>> -> memref<1x128xi32, #tpu.memory_space<vmem>>
        %dma_wait3A_16 = tpu.memref_squeeze %dma_wait3A_15 : memref<1x128xi32, #tpu.memory_space<vmem>> -> memref<128xi32, #tpu.memory_space<vmem>>
        %dma_wait3A_17 = arith.constant 0 : i32
        %dma_wait3A_18 = arith.constant 0 : i32
        %dma_wait3A_19 = tpu.memref_slice %arg2[%dma_wait3A_17, %dma_wait3A_18] : memref<10112x128xf32, #tpu.memory_space<hbm>> -> memref<10112x128xf32, #tpu.memory_space<hbm>>
        tpu.wait_indirect_dma semaphore(%run_scoped3A : memref<!tpu.dma_semaphore, #tpu.memory_space<semaphore_mem>>) src(%dma_wait3A_19 : memref<10112x128xf32, #tpu.memory_space<hbm>>) dst(%arg8 : memref<128x128xf32, #tpu.memory_space<vmem>>)
        tpu.yield
      }) : () -> ()
      "tpu.region"() ({
        %run_scoped3A = tpu.sem_alloc : memref<!tpu.dma_semaphore, #tpu.memory_space<semaphore_mem>>
        %dma_start3A = arith.constant 0 : i32
        %dma_start3A_10 = tpu.memref_slice %arg7[%scan3A_9, %dma_start3A] : memref<79x128xi32, #tpu.memory_space<vmem>> -> memref<1x128xi32, #tpu.memory_space<vmem>>
        %dma_start3A_11 = tpu.memref_squeeze %dma_start3A_10 : memref<1x128xi32, #tpu.memory_space<vmem>> -> memref<128xi32, #tpu.memory_space<vmem>>
        %dma_start3A_12 = arith.constant 0 : i32
        %dma_start3A_13 = arith.constant 0 : i32
        %dma_start3A_14 = tpu.memref_slice %arg9[%dma_start3A_12, %dma_start3A_13] : memref<10112x128xf32, #tpu.memory_space<vmem_shared>> -> memref<10112x128xf32, #tpu.memory_space<vmem_shared>>
        tpu.enqueue_indirect_dma source(%arg8 : memref<128x128xf32, #tpu.memory_space<vmem>>) target(%dma_start3A_14 : memref<10112x128xf32, #tpu.memory_space<vmem_shared>>) offsets(%dma_start3A_11 : memref<128xi32, #tpu.memory_space<vmem>>) semaphore(%run_scoped3A : memref<!tpu.dma_semaphore, #tpu.memory_space<semaphore_mem>>) {add = true}
        %dma_wait3A = arith.constant 0 : i32
        %dma_wait3A_15 = tpu.memref_slice %arg7[%scan3A_9, %dma_wait3A] : memref<79x128xi32, #tpu.memory_space<vmem>> -> memref<1x128xi32, #tpu.memory_space<vmem>>
        %dma_wait3A_16 = tpu.memref_squeeze %dma_wait3A_15 : memref<1x128xi32, #tpu.memory_space<vmem>> -> memref<128xi32, #tpu.memory_space<vmem>>
        %dma_wait3A_17 = arith.constant 0 : i32
        %dma_wait3A_18 = arith.constant 0 : i32
        %dma_wait3A_19 = tpu.memref_slice %arg9[%dma_wait3A_17, %dma_wait3A_18] : memref<10112x128xf32, #tpu.memory_space<vmem_shared>> -> memref<10112x128xf32, #tpu.memory_space<vmem_shared>>
        tpu.wait_indirect_dma semaphore(%run_scoped3A : memref<!tpu.dma_semaphore, #tpu.memory_space<semaphore_mem>>) src(%arg8 : memref<128x128xf32, #tpu.memory_space<vmem>>) dst(%dma_wait3A_19 : memref<10112x128xf32, #tpu.memory_space<vmem_shared>>)
        tpu.yield
      }) : () -> ()
    }
    %scan3A_7 = arith.constant 79 : i32
    %barrier3A_8 = arith.constant 0 : index
    tpu.barrier barrier_id(%barrier3A_8)
    "tpu.region"() ({
      %run_scoped3A = tpu.sem_alloc : memref<!tpu.dma_semaphore, #tpu.memory_space<semaphore_mem>>
      %dma_start3A = arith.constant 0 : i32
      %dma_start3A_9 = tpu.memref_slice %arg5[%arg0, %mul3A_2, %dma_start3A] : memref<2x10112x128xf32, #tpu.memory_space<hbm>> -> memref<1x632x128xf32, #tpu.memory_space<hbm>>
      %dma_start3A_10 = tpu.memref_squeeze %dma_start3A_9 : memref<1x632x128xf32, #tpu.memory_space<hbm>> -> memref<632x128xf32, #tpu.memory_space<hbm>>
      %dma_start3A_11 = arith.constant 0 : i32
      %dma_start3A_12 = tpu.memref_slice %arg9[%mul3A_2, %dma_start3A_11] : memref<10112x128xf32, #tpu.memory_space<vmem_shared>> -> memref<632x128xf32, #tpu.memory_space<vmem_shared>>
      tpu.enqueue_dma source(%dma_start3A_12 : memref<632x128xf32, #tpu.memory_space<vmem_shared>>) target(%dma_start3A_10 : memref<632x128xf32, #tpu.memory_space<hbm>>) target_semaphore(%run_scoped3A : memref<!tpu.dma_semaphore, #tpu.memory_space<semaphore_mem>>)
      %dma_wait3A = arith.constant 0 : i32
      %dma_wait3A_13 = tpu.memref_slice %arg5[%arg0, %mul3A_2, %dma_wait3A] : memref<2x10112x128xf32, #tpu.memory_space<hbm>> -> memref<1x632x128xf32, #tpu.memory_space<hbm>>
      %dma_wait3A_14 = tpu.memref_squeeze %dma_wait3A_13 : memref<1x632x128xf32, #tpu.memory_space<hbm>> -> memref<632x128xf32, #tpu.memory_space<hbm>>
      %dma_wait3A_15 = arith.constant 0 : i32
      %dma_wait3A_16 = tpu.memref_slice %arg9[%mul3A_2, %dma_wait3A_15] : memref<10112x128xf32, #tpu.memory_space<vmem_shared>> -> memref<632x128xf32, #tpu.memory_space<vmem_shared>>
      tpu.wait_dma2 semaphore(%run_scoped3A : memref<!tpu.dma_semaphore, #tpu.memory_space<semaphore_mem>>) src(%dma_wait3A_16 : memref<632x128xf32, #tpu.memory_space<vmem_shared>>) dst(%dma_wait3A_14 : memref<632x128xf32, #tpu.memory_space<hbm>>)
      tpu.yield
    }) : () -> ()
    return
  }
}

module attributes {stable_mosaic.version = 14 : i64} {
  func.func @_mm_body(%arg0: memref<10112x128xf32, #tpu.memory_space<vmem>>, %arg1: memref<128x128xf32, #tpu.memory_space<vmem>>, %arg2: memref<10112x128xf32, #tpu.memory_space<vmem>>) attributes {dimension_semantics = [], scalar_prefetch = 0 : i64, scratch_operands = 0 : i64, tpu.core_type = #tpu.core_type<tc>} {
    %get3A = arith.constant 0 : index
    %get3A_0 = arith.constant 0 : index
    %get3A_1 = vector.load %arg0[%get3A, %get3A_0] : memref<10112x128xf32, #tpu.memory_space<vmem>>, vector<10112x128xf32>
    %get3A_2 = arith.constant 0 : index
    %get3A_3 = arith.constant 0 : index
    %get3A_4 = vector.load %arg1[%get3A_2, %get3A_3] : memref<128x128xf32, #tpu.memory_space<vmem>>, vector<128x128xf32>
    %dot_general3A = arith.constant dense<0.000000e+00> : vector<10112x128xf32>
    %dot_general3A_5 = tpu.matmul %get3A_1, %get3A_4, %dot_general3A {dimension_numbers = #tpu.dot_dimension_numbers<[1], [0], [0], [1], [0, 0, 1, 1], [], []>, transpose_lhs_hint = false} : vector<10112x128xf32>, vector<128x128xf32>, vector<10112x128xf32> -> vector<10112x128xf32>
    %swap3A = arith.constant 0 : index
    %swap3A_6 = arith.constant 0 : index
    %swap3A_7 = vector.load %arg2[%swap3A, %swap3A_6] : memref<10112x128xf32, #tpu.memory_space<vmem>>, vector<10112x128xf32>
    tpu.vector_store %arg2[%swap3A, %swap3A_6], %dot_general3A_5 {strides = array<i32>} : memref<10112x128xf32, #tpu.memory_space<vmem>>, vector<10112x128xf32>,
    return
  }
}

module attributes {stable_mosaic.version = 14 : i64} {
  func.func @_scale_body(%arg0: memref<10112x128xf32, #tpu.memory_space<vmem>>, %arg1: memref<10112x128xf32, #tpu.memory_space<vmem>>, %arg2: memref<10112x128xf32, #tpu.memory_space<vmem>>, %arg3: memref<10112x128xf32, #tpu.memory_space<vmem>>, %arg4: memref<10112x128xf32, #tpu.memory_space<vmem>>) attributes {dimension_semantics = [], scalar_prefetch = 0 : i64, scratch_operands = 0 : i64, tpu.core_type = #tpu.core_type<tc>} {
    %get3A = arith.constant 0 : index
    %get3A_0 = arith.constant 0 : index
    %get3A_1 = vector.load %arg0[%get3A, %get3A_0] : memref<10112x128xf32, #tpu.memory_space<vmem>>, vector<10112x128xf32>
    %get3A_2 = arith.constant 0 : index
    %get3A_3 = arith.constant 0 : index
    %get3A_4 = vector.load %arg1[%get3A_2, %get3A_3] : memref<10112x128xf32, #tpu.memory_space<vmem>>, vector<10112x128xf32>
    %add3A = arith.addf %get3A_1, %get3A_4 : vector<10112x128xf32>
    %sub3A = arith.constant 1.000000e+00 : f32
    %sub3A_5 = vector.broadcast %sub3A : f32 to vector<10112x128xf32>
    %sub3A_6 = arith.subf %add3A, %sub3A_5 : vector<10112x128xf32>
    %max3A = arith.constant 1.000000e+00 : f32
    %max3A_7 = vector.broadcast %max3A : f32 to vector<10112x128xf32>
    %max3A_8 = arith.maximumf %sub3A_6, %max3A_7 : vector<10112x128xf32>
    %rsqrt3A = math.rsqrt %max3A_8 : vector<10112x128xf32>
    %swap3A = arith.constant 0 : index
    %swap3A_9 = arith.constant 0 : index
    %swap3A_10 = vector.load %arg3[%swap3A, %swap3A_9] : memref<10112x128xf32, #tpu.memory_space<vmem>>, vector<10112x128xf32>
    tpu.vector_store %arg3[%swap3A, %swap3A_9], %rsqrt3A {strides = array<i32>} : memref<10112x128xf32, #tpu.memory_space<vmem>>, vector<10112x128xf32>,
    %get3A_11 = arith.constant 0 : index
    %get3A_12 = arith.constant 0 : index
    %get3A_13 = vector.load %arg2[%get3A_11, %get3A_12] : memref<10112x128xf32, #tpu.memory_space<vmem>>, vector<10112x128xf32>
    %mul3A = arith.mulf %get3A_13, %rsqrt3A : vector<10112x128xf32>
    %swap3A_14 = arith.constant 0 : index
    %swap3A_15 = arith.constant 0 : index
    %swap3A_16 = vector.load %arg4[%swap3A_14, %swap3A_15] : memref<10112x128xf32, #tpu.memory_space<vmem>>, vector<10112x128xf32>
    tpu.vector_store %arg4[%swap3A_14, %swap3A_15], %mul3A {strides = array<i32>} : memref<10112x128xf32, #tpu.memory_space<vmem>>, vector<10112x128xf32>,
    return
  }
}

module attributes {stable_mosaic.version = 14 : i64} {
  func.func @_mid_body(%arg0: memref<10112x128xf32, #tpu.memory_space<vmem>>, %arg1: memref<10112x128xf32, #tpu.memory_space<vmem>>, %arg2: memref<10112x128xf32, #tpu.memory_space<vmem>>, %arg3: memref<10112x128xf32, #tpu.memory_space<vmem>>, %arg4: memref<1x128xf32, #tpu.memory_space<vmem>>, %arg5: memref<128x128xf32, #tpu.memory_space<vmem>>, %arg6: memref<10112x128xf32, #tpu.memory_space<vmem>>) attributes {dimension_semantics = [], scalar_prefetch = 0 : i64, scratch_operands = 0 : i64, tpu.core_type = #tpu.core_type<tc>} {
    %get3A = arith.constant 0 : index
    %get3A_0 = arith.constant 0 : index
    %get3A_1 = vector.load %arg0[%get3A, %get3A_0] : memref<10112x128xf32, #tpu.memory_space<vmem>>, vector<10112x128xf32>
    %get3A_2 = arith.constant 0 : index
    %get3A_3 = arith.constant 0 : index
    %get3A_4 = vector.load %arg1[%get3A_2, %get3A_3] : memref<10112x128xf32, #tpu.memory_space<vmem>>, vector<10112x128xf32>
    %add3A = arith.addf %get3A_1, %get3A_4 : vector<10112x128xf32>
    %get3A_5 = arith.constant 0 : index
    %get3A_6 = arith.constant 0 : index
    %get3A_7 = vector.load %arg2[%get3A_5, %get3A_6] : memref<10112x128xf32, #tpu.memory_space<vmem>>, vector<10112x128xf32>
    %sub3A = arith.subf %add3A, %get3A_7 : vector<10112x128xf32>
    %get3A_8 = arith.constant 0 : index
    %get3A_9 = arith.constant 0 : index
    %get3A_10 = vector.load %arg3[%get3A_8, %get3A_9] : memref<10112x128xf32, #tpu.memory_space<vmem>>, vector<10112x128xf32>
    %mul3A = arith.mulf %get3A_10, %sub3A : vector<10112x128xf32>
    %get3A_11 = arith.constant 0 : index
    %get3A_12 = arith.constant 0 : index
    %get3A_13 = vector.load %arg4[%get3A_11, %get3A_12] : memref<1x128xf32, #tpu.memory_space<vmem>>, vector<1x128xf32>
    %add3A_14 = vector.broadcast %get3A_13 : vector<1x128xf32> to vector<10112x128xf32>
    %add3A_15 = arith.addf %mul3A, %add3A_14 : vector<10112x128xf32>
    %max3A = arith.constant 0.000000e+00 : f32
    %max3A_16 = vector.broadcast %max3A : f32 to vector<10112x128xf32>
    %max3A_17 = arith.maximumf %add3A_15, %max3A_16 : vector<10112x128xf32>
    %get3A_18 = arith.constant 0 : index
    %get3A_19 = arith.constant 0 : index
    %get3A_20 = vector.load %arg5[%get3A_18, %get3A_19] : memref<128x128xf32, #tpu.memory_space<vmem>>, vector<128x128xf32>
    %dot_general3A = arith.constant dense<0.000000e+00> : vector<10112x128xf32>
    %dot_general3A_21 = tpu.matmul %max3A_17, %get3A_20, %dot_general3A {dimension_numbers = #tpu.dot_dimension_numbers<[1], [0], [0], [1], [0, 0, 1, 1], [], []>, transpose_lhs_hint = false} : vector<10112x128xf32>, vector<128x128xf32>, vector<10112x128xf32> -> vector<10112x128xf32>
    %get3A_22 = arith.constant 0 : index
    %get3A_23 = arith.constant 0 : index
    %get3A_24 = vector.load %arg3[%get3A_22, %get3A_23] : memref<10112x128xf32, #tpu.memory_space<vmem>>, vector<10112x128xf32>
    %mul3A_25 = arith.mulf %dot_general3A_21, %get3A_24 : vector<10112x128xf32>
    %swap3A = arith.constant 0 : index
    %swap3A_26 = arith.constant 0 : index
    %swap3A_27 = vector.load %arg6[%swap3A, %swap3A_26] : memref<10112x128xf32, #tpu.memory_space<vmem>>, vector<10112x128xf32>
    tpu.vector_store %arg6[%swap3A, %swap3A_26], %mul3A_25 {strides = array<i32>} : memref<10112x128xf32, #tpu.memory_space<vmem>>, vector<10112x128xf32>,
    return
  }
}

module attributes {stable_mosaic.version = 14 : i64} {
  func.func @_out_body(%arg0: memref<10112x128xf32, #tpu.memory_space<vmem>>, %arg1: memref<10112x128xf32, #tpu.memory_space<vmem>>, %arg2: memref<10112x128xf32, #tpu.memory_space<vmem>>, %arg3: memref<10112x128xf32, #tpu.memory_space<vmem>>, %arg4: memref<1x128xf32, #tpu.memory_space<vmem>>, %arg5: memref<10112x128xf32, #tpu.memory_space<vmem>>) attributes {dimension_semantics = [], scalar_prefetch = 0 : i64, scratch_operands = 0 : i64, tpu.core_type = #tpu.core_type<tc>} {
    %get3A = arith.constant 0 : index
    %get3A_0 = arith.constant 0 : index
    %get3A_1 = vector.load %arg0[%get3A, %get3A_0] : memref<10112x128xf32, #tpu.memory_space<vmem>>, vector<10112x128xf32>
    %get3A_2 = arith.constant 0 : index
    %get3A_3 = arith.constant 0 : index
    %get3A_4 = vector.load %arg1[%get3A_2, %get3A_3] : memref<10112x128xf32, #tpu.memory_space<vmem>>, vector<10112x128xf32>
    %add3A = arith.addf %get3A_1, %get3A_4 : vector<10112x128xf32>
    %get3A_5 = arith.constant 0 : index
    %get3A_6 = arith.constant 0 : index
    %get3A_7 = vector.load %arg2[%get3A_5, %get3A_6] : memref<10112x128xf32, #tpu.memory_space<vmem>>, vector<10112x128xf32>
    %sub3A = arith.subf %add3A, %get3A_7 : vector<10112x128xf32>
    %get3A_8 = arith.constant 0 : index
    %get3A_9 = arith.constant 0 : index
    %get3A_10 = vector.load %arg3[%get3A_8, %get3A_9] : memref<10112x128xf32, #tpu.memory_space<vmem>>, vector<10112x128xf32>
    %mul3A = arith.mulf %get3A_10, %sub3A : vector<10112x128xf32>
    %get3A_11 = arith.constant 0 : index
    %get3A_12 = arith.constant 0 : index
    %get3A_13 = vector.load %arg4[%get3A_11, %get3A_12] : memref<1x128xf32, #tpu.memory_space<vmem>>, vector<1x128xf32>
    %add3A_14 = vector.broadcast %get3A_13 : vector<1x128xf32> to vector<10112x128xf32>
    %add3A_15 = arith.addf %mul3A, %add3A_14 : vector<10112x128xf32>
    %iota3A = tpu.iota {dimensions = array<i32: 1>} : vector<10112x128xi32>
    %lt3A = arith.constant 10 : i32
    %lt3A_16 = vector.broadcast %lt3A : i32 to vector<10112x128xi32>
    %lt3A_17 = arith.cmpi slt, %iota3A, %lt3A_16 : vector<10112x128xi32>
    %jit3A = arith.constant -1.000000e+30 : f32
    %broadcast_in_dim3A = vector.broadcast %jit3A : f32 to vector<10112x128xf32>
    %select_n3A = arith.select %lt3A_17, %add3A_15, %broadcast_in_dim3A : vector<10112x128xi1>, vector<10112x128xf32>
    %reduce_max3A = arith.constant dense<0xFF800000> : vector<10112xf32>
    %reduce_max3A_18 = vector.multi_reduction <maximumf>, %select_n3A, %reduce_max3A [1] : vector<10112x128xf32> to vector<10112xf32>
    %broadcast_in_dim3A_19 = vector.shape_cast %reduce_max3A_18 : vector<10112xf32> to vector<10112x1xf32>
    %sub3A_20 = vector.broadcast %broadcast_in_dim3A_19 : vector<10112x1xf32> to vector<10112x128xf32>
    %sub3A_21 = arith.subf %add3A_15, %sub3A_20 : vector<10112x128xf32>
    %exp3A = math.exp %sub3A_21 : vector<10112x128xf32>
    %jit3A_22 = arith.constant 0.000000e+00 : f32
    %broadcast_in_dim3A_23 = vector.broadcast %jit3A_22 : f32 to vector<10112x128xf32>
    %select_n3A_24 = arith.select %lt3A_17, %exp3A, %broadcast_in_dim3A_23 : vector<10112x128xi1>, vector<10112x128xf32>
    %reduce_sum3A = arith.constant dense<0.000000e+00> : vector<10112xf32>
    %reduce_sum3A_25 = vector.multi_reduction <add>, %select_n3A_24, %reduce_sum3A [1] : vector<10112x128xf32> to vector<10112xf32>
    %broadcast_in_dim3A_26 = vector.shape_cast %reduce_sum3A_25 : vector<10112xf32> to vector<10112x1xf32>
    %log3A = math.log %broadcast_in_dim3A_26 : vector<10112x1xf32>
    %sub3A_27 = vector.broadcast %broadcast_in_dim3A_19 : vector<10112x1xf32> to vector<10112x128xf32>
    %sub3A_28 = arith.subf %add3A_15, %sub3A_27 : vector<10112x128xf32>
    %sub3A_29 = vector.broadcast %log3A : vector<10112x1xf32> to vector<10112x128xf32>
    %sub3A_30 = arith.subf %sub3A_28, %sub3A_29 : vector<10112x128xf32>
    %swap3A = arith.constant 0 : index
    %swap3A_31 = arith.constant 0 : index
    %swap3A_32 = vector.load %arg5[%swap3A, %swap3A_31] : memref<10112x128xf32, #tpu.memory_space<vmem>>, vector<10112x128xf32>
    tpu.vector_store %arg5[%swap3A, %swap3A_31], %sub3A_30 {strides = array<i32>} : memref<10112x128xf32, #tpu.memory_space<vmem>>, vector<10112x128xf32>,
    return
  }
}

</mosaic_0001>

<sc_bundles>
// kernel: kernel.12.cloned.1.call-start
scs
__scs_entry_jumppad:
0x0: {  	(pc) =	sbr.rel $0x88, $3  }
0x1: {  	(tag) =	ssettag $0x0;
	lr =	simm.s32 $0x1  }
0x2: {  	[smem:$0x3F9B] =	sst lr;
	_ =	strace $0xD0000000  }
0x3: {  	_ = 	snop  }
0x4: {  	_ = 	snop  }
0x5: {  	_ = 	snop  }
0x6: {  	_ = 	snop  }
0x7: {  	_ = 	snop  }
__scs_overlays_trampoline_lowered:
0x8: {  	[smem:$0x3FAA] =	sst s0  }
0x9: {  	[smem:$0x3FAB] =	sst s1  }
0xa: {  	[smem:$0x3FAC] =	sst s2  }
0xb: {  	[smem:$0x3FAD] =	sst s3  }
0xc: {  	[smem:$0x3FAE] =	sst s4  }
0xd: {  	[smem:$0x3FAF] =	sst s5  }
0xe: {  	[smem:$0x3FB0] =	sst s6  }
0xf: {  	[smem:$0x3FB1] =	sst s7  }
0x10: {  	[smem:$0x3FB2] =	sst s8  }
0x11: {  	[smem:$0x3FB3] =	sst s9;
	s0 =	simm.s32 @!p0 $0x0  }
0x12: {  	s1 =	sld [smem:$0x3F99];
	s0 =	simm.s32 @p0 $0x1  }
0x13: {  	[smem:$0x3FB4] =	sst s0;
	s0 =	simm.s32 @!p1 $0x0  }
0x14: {  	s2 =	sld [smem:$0x3F98];
	s0 =	simm.s32 @p1 $0x1  }
0x15: {  	[smem:$0x3FB5] =	sst s0;
	s0 =	simm.s32 @!p2 $0x0  }
0x16: {  	s3 =	sld [smem:$0x3FDB];
	s0 =	simm.s32 @p2 $0x1  }
0x17: {  	s4 =	simm.s32 $0x1BF5;
	[smem:$0x3FB7] =	sst s0  }
0x18: {  	s0 =	sld [smem:$0x3F9A];
	_ =	swait.ge [sflag:s4], $0x0  }
0x19: {  	s7 =	sld [smem:$0x3F9B]  }
0x1a: {  	s8 =	sadd.s32 $0xFFFFE003, lr  }
0x1b: {  	s9 =	sadd.s32 $0xFFFFFEF7, lr;
	s5 =	simm.s32 $0xFFFFFFFF;
	p2 =	slt.u32 s8, $0xFFFFF086  }
0x1c: {  	p1 =	slt.u32 s9, $0xF7A;
	s5 =	simm.s32 @!p2 $0x0  }
0x1d: {  	s5 =	simm.s32 @p1 $0x1;
	p0 =	seq.s32 s7, s2  }
0x1e: {  	s7 =	smul.u32 @!p0 $0xF7A, s2;
	p2 =	seq.s32 @!p0 s5, $0x0  }
0x1f: {  	s9 =	smul.u32 $0xF7A, s1;
	s8 =	simm.s32 @!p0 $0x1BF5;
	p2 =	por !p2, p0  }
0x20: {  	[sflag:s8] =	ssyncset.s32 @!p0 $0xFFFFF086;
	s6 =	sadd.s32 @!p0 s3, s7;
	s7 =	simm.s32 @!p0 $0x108  }
0x21: {  	s3 =	sadd.s32 s3, s9;
	s6 =	sadd.s32 @!p0 $0x88, s6;
	s7 =	simm.s32 @p2 $0x1082  }
0x22: {  	[simem:s7], [sflag:s8] =	dma.local @!p0 [hbm:s6], $0xF7A  }
0x23: {  	s9 =	sor.u32 $0xD0000000, s2;
	s6 =	simm.s32 $0x108;
	_ =	swait.ge @!p0 [sflag:s8], $0x0  }
0x24: {  	s3 =	sadd.s32 $0x88, s3;
	s6 =	simm.s32 @!p1 $0x1082;
	[sflag:s4] =	ssyncset.s32 $0xFFFFF086  }
0x25: {  	[simem:s6], [sflag:s4] =	dma.local [hbm:s3], $0xF7A  }
0x26: {  	[smem:$0x3F9B] =	sst s1;
	(tag) =	ssettag s2;
	_ =	strace s9  }
0x27: {  	s1 =	sld [smem:$0x3FAB]  }
0x28: {  	s2 =	sld [smem:$0x3FAC]  }
0x29: {  	s4 =	sld [smem:$0x3FAE]  }
0x2a: {  	p0 =	seq.s32 s5, $0x0;
	s5 =	sld [smem:$0x3FAF]  }
0x2b: {  	s6 =	sld [smem:$0x3FB0]  }
0x2c: {  	s7 =	sld [smem:$0x3FB1]  }
0x2d: {  	s3 =	simm.s32 $0x108;
	s8 =	sld [smem:$0x3FB2]  }
0x2e: {  	s3 =	simm.s32 @!p0 $0x1082;
	s9 =	sld [smem:$0x3FB3]  }
0x2f: {  	lr =	sadd.s32 s0, s3;
	s0 =	sld [smem:$0x3FAA]  }
0x30: {  	s3 =	sld [smem:$0x3FAD]  }
0x31: {  	[smem:$0x3FB6] =	sst s10  }
0x32: {  	s10 =	sld [smem:$0x3FB4];
	_ =	sdelay $0x3  }
0x33: {  	p0 =	seq.s32 s10, $0x1;
	s10 =	sld [smem:$0x3FB6];
	_ =	sdelay $0x3  }
0x34: {  	[smem:$0x3FB6] =	sst s10  }
0x35: {  	s10 =	sld [smem:$0x3FB5];
	_ =	sdelay $0x3  }
0x36: {  	p1 =	seq.s32 s10, $0x1;
	s10 =	sld [smem:$0x3FB6];
	_ =	sdelay $0x3  }
0x37: {  	[smem:$0x3FB6] =	sst s10  }
0x38: {  	s10 =	sld [smem:$0x3FB7]  }
0x39: {  	_ = 	snop;
	(pc) =	sbr.ind lr, $3  }
0x3a: {  	_ = 	snop  }
0x3b: {  	_ = 	snop  }
0x3c: {  	p2 =	seq.s32 s10, $0x1;
	s10 =	sld [smem:$0x3FB6]  }
0x3d: {  	_ =	shalt  }
0x3e: {  	_ =	shalt  }
0x3f: {  	_ =	shalt  }
0x40: {  	_ =	shalt  }
0x41: {  	_ =	shalt  }
0x42: {  	_ =	shalt  }
0x43: {  	_ =	shalt  }
0x44: {  	_ =	shalt  }
0x45: {  	_ =	shalt  }
0x46: {  	_ =	shalt  }
0x47: {  	_ =	shalt  }
0x48: {  	_ =	shalt  }
0x49: {  	_ =	shalt  }
0x4a: {  	_ =	shalt  }
0x4b: {  	_ =	shalt  }
0x4c: {  	_ =	shalt  }
0x4d: {  	_ =	shalt  }
0x4e: {  	_ =	shalt  }
0x4f: {  	_ =	shalt  }
0x50: {  	_ =	shalt  }
0x51: {  	_ =	shalt  }
0x52: {  	_ =	shalt  }
0x53: {  	_ =	shalt  }
0x54: {  	_ =	shalt  }
0x55: {  	_ =	shalt  }
0x56: {  	_ =	shalt  }
0x57: {  	_ =	shalt  }
0x58: {  	_ =	shalt  }
0x59: {  	_ =	shalt  }
0x5a: {  	_ =	shalt  }
0x5b: {  	_ =	shalt  }
0x5c: {  	_ =	shalt  }
0x5d: {  	_ =	shalt  }
0x5e: {  	_ =	shalt  }
0x5f: {  	_ =	shalt  }
0x60: {  	_ =	shalt  }
0x61: {  	_ =	shalt  }
0x62: {  	_ =	shalt  }
0x63: {  	_ =	shalt  }
0x64: {  	_ =	shalt  }
0x65: {  	_ =	shalt  }
0x66: {  	_ =	shalt  }
0x67: {  	_ =	shalt  }
0x68: {  	_ =	shalt  }
0x69: {  	_ =	shalt  }
0x6a: {  	_ =	shalt  }
0x6b: {  	_ =	shalt  }
0x6c: {  	_ =	shalt  }
0x6d: {  	_ =	shalt  }
0x6e: {  	_ =	shalt  }
0x6f: {  	_ =	shalt  }
0x70: {  	_ =	shalt  }
0x71: {  	_ =	shalt  }
0x72: {  	_ =	shalt  }
0x73: {  	_ =	shalt  }
0x74: {  	_ =	shalt  }
0x75: {  	_ =	shalt  }
0x76: {  	_ =	shalt  }
0x77: {  	_ =	shalt  }
0x78: {  	_ =	shalt  }
0x79: {  	_ =	shalt  }
0x7a: {  	_ =	shalt  }
0x7b: {  	_ =	shalt  }
0x7c: {  	_ =	shalt  }
0x7d: {  	_ =	shalt  }
0x7e: {  	_ =	shalt  }
0x7f: {  	_ =	shalt  }
0x80: {  	_ =	shalt  }
0x81: {  	_ =	shalt  }
0x82: {  	_ =	shalt  }
0x83: {  	_ =	shalt  }
0x84: {  	_ =	shalt  }
0x85: {  	_ =	shalt  }
0x86: {  	_ =	shalt  }
0x87: {  	_ =	shalt  }
.Lfunc_end0:
.L_simem_size_0:
called_computation.1_lowered:
.L_overlay_start_0:
0x88: {  	s2 =	sld [smem:$0x3FD9]  }
0x89: {  	s3 =	sld [smem:$0x3FFE];
	_ =	sdelay $0x1  }
0x8a: {  	s1 =	srdreg.scid  }
0x8b: {  	s0 =	sand.u32 $0x1, s1  }
0x8c: {  	s16 =	sshll.u32 s0, $0xA;
	s2 =	sadd.s32 s3, s2  }
0x8d: {  	s2 =	sadd.s32 s2, s16  }
0x8e: {  	[smem:$0x3FC2] =	sst s2  }
0x8f: {  	_ = 	snop  }
0x90: {  	(tm) =	ssettm $0x1  }
0x91: {  	s17 =	sld [smem:$0x3FFB];
	_ =	sdelay $0x3  }
0x92: {  	_ =	strace s17  }
0x93: {  	s2 =	sld [smem:$0x3FFC];
	_ =	sdelay $0x3  }
0x94: {  	_ =	strace s2  }
0x95: {  	s2 =	sld [smem:$0x3FFD];
	_ =	sdelay $0x3  }
0x96: {  	_ =	strace s2  }
0x97: {  	_ =	strace $0x8FFFFFFF  }
0x98: {  	s18 =	sld [smem:$0x3FDB];
	_ =	sdelay $0x1  }
0x99: {  	s19 =	simm.s32 $_scs_section_size  }
0x9a: {  	s4 =	simm.s32 $_size__tile_overlayer_lowered;
	s5 =	simm.s32 $_tile_overlayer_lowered  }
0x9b: {  	s22 =	simm.s32 $0x1BFF;
	s21 =	sshll.u32 s5, $0x1;
	s2 =	sadd.s32 s19, s18  }
0x9c: {  	s6 =	simm.s32 $0x0;
	s20 =	sshll.u32 s4, $0x1;
	s4 =	sadd.s32 s21, s2  }
0x9d: {  	[timem:s6], [sflag:s22] =	dma.local [hbm:s4], s20  }
0x9e: {  	_ =	swait.ge [sflag:s22], s20  }
0x9f: {  	s3 =	ssub.s32 $0x0, s20;
	[sflag:s22] =	ssyncset.done $0x0  }
0xa0: {  	[sflag:s22] =	ssyncadd.s32 s3;
	_ =	sdelay $0x1  }
0xa1: {  	s23 =	simm.s32 $0x1B8B  }
0xa2: {  	_ =	swait.ge [sflag:s23], $0x1  }
0xa3: {  	[sflag:s23] =	ssyncset.done $0x0  }
0xa4: {  	s25 =	simm.s32 $0x1B8E;
	s24 =	sld [smem:$0x3FFE];
	[sflag:s23] =	ssyncadd.s32 $0xFFFFFFFF  }
0xa5: {  	s26 =	simm.s32 $execute0_lowered;
	[smem:$0x3FD2] =	sst s25  }
0xa6: {  	s4 =	sshll.u32 s26, $0x1;
	_ =	strace $0x80000049;
	[dreg:$0x1] =	wrdreg $0xFFFFFFFF  }
0xa7: {  	s28 =	simm.s32 $_size_execute0_lowered;
	s2 =	sadd.s32 s2, s4;
	[dreg:$0x0] =	wrdreg $0x0  }
0xa8: {  	s4 =	sshll.u32 s28, $0x1;
	[dreg:$0x2] =	wrdreg s2  }
0xa9: {  	[dreg:$0x3] =	wrdreg s4  }
0xaa: {  	[dreg:$0x4] =	wrdreg $0xC0  }
0xab: {  	_ =	task [dreg:s6], $0x5FFFF  }
0xac: {  	[dreg:$0x1] =	wrdreg $0xFFFFFFFF  }
0xad: {  	[dreg:$0x0] =	wrdreg $0x60  }
0xae: {  	[dreg:$0x2] =	wrdreg s24  }
0xaf: {  	[dreg:$0x3] =	wrdreg $0x90000  }
0xb0: {  	[dreg:$0x4] =	wrdreg $0x9  }
0xb1: {  	_ =	task.clear_ibuf [dreg:s6], $0x5FFFF;
	_ =	strace $0x90000049  }
0xb2: {  	s29 =	simm.s32 $0x9;
	_ =	strace $0x8000004B  }
0xb3: {  	_ =	swait.ge [sflag:s29], $0x1  }
0xb4: {  	[sflag:s29] =	ssyncadd.s32 $0xFFFFFFFF  }
0xb5: {  	_ =	strace $0x9000004B  }
0xb6: {  	_ =	sfence  }
0xb7: {  	s30 =	sld [smem:$0x0];
	_ =	sdelay $0x2  }
0xb8: {  	s31 =	sshll.u32 s1, $0xD;
	s1 =	sshrl.u32 s1, $0x2  }
0xb9: {  	s3 =	sand.u32 $0x4000, s31;
	s1 =	sadd.s32 s1, s30  }
0xba: {  	s0 =	sor.u32 s3, s0;
	s1 =	sshll.u32 s1, $0x11  }
0xbb: {  	s0 =	sor.u32 s1, s0  }
0xbc: {  	s0 =	sadd.s32 $0x8F2B, s0  }
0xbd: {  	[sflag:s0] =	ssyncadd.remote.s32 $0x1  }
0xbe: {  	_ =	sfence.sel $0xFFFF  }
0xbf: {  	[dreg:$0x0] =	wrdreg $0xFFFFFFFF;
	(pc) =	sbr.abs _section_cstart, $3  }
0xc0: {  	[dreg:$0x1] =	wrdreg $0xFFFFFFFF  }
0xc1: {  	_ =	task.clear_ibuf [dreg:s6], $0x2FFFF;
	_ =	strace $0x9FFFFFFF  }
0xc2: {  	(tm) =	ssettm $0x7FFFFFFF  }
0xc3: {  	_ =	shalt  }
tec
execute0_lowered:
.L_overlay_start_1:
0x0: {  	(tag) =	ssettag $0x1  }
0x1: {  	s6 =	rddreg [dreg:$0x0]  }
0x2: {  	s0 =	srdreg.scid;
	s2 =	rddreg [dreg:$0x1]  }
0x3: {  	s3 =	simm.s32 $0x0;
	s14 =	simm.s32 $0x80;
	s15 =	simm.s32 $0x5000  }
0x4: {  	s16 =	simm.s32 $0x0;
	s5 =	sand.u32 $0x1, s0;
	s0 =	stileid.u32  }
0x5: {  	[smem:$0x7FF] =	sst s3;
	s4 =	sadd.s32 $0x16800, s6;
	s8 =	smul.u32 $0x13C00, s0  }
0x6: {  	s1 =	sshll.u32 s5, $0x4;
	s9 =	smul.u32 $0x13C000, s5;
	s5 =	ssub.s32 $0x2, s5  }
0x7: {  	s11 =	smul.u32 $0x4F000, s0;
	s12 =	sshll.u32 s0, $0x6;
	s1 =	sor.u32 s0, s1  }
0x8: {  	s10 =	sshrl.u32 s5, $0x1;
	s12 =	sor.u32 $0x1C01, s12;
	s7 =	smul.u32 $0x500, s1  }
0x9: {  	s1 =	rddreg [dreg:$0x2];
	_ =	strace $0x8000004A;
	s9 =	sadd.s32 s8, s9  }
0xa: {  	s10 =	ssub.s32 s5, s10;
	s31 =	sshrl.u32 s11, $0x2;
	s8 =	sshrl.u32 s8, $0x3  }
0xb: {  	s11 =	simm.s32 $0x2800;
	s9 =	sshrl.u32 s9, $0x3;
	s13 =	sadd.s32 s31, s2  }
0xc: {  	s7 =	sadd.s32 s7, s6;
	s9 =	sadd.s32 s9, s6;
	s13 =	sshrl.u32 s13, $0x3  }
0xd: {  	s5 =	sadd.s32 $0x2800, s7;
	s6 =	sadd.s32 $0xC800, s7;
	s7 =	sadd.s32 s4, s8  }
0xe: {  	s8 =	sadd.s32 $0x65800, s9;
	s9 =	smax.u32 s10, $0x1;
	s10 =	simm.s32 $0x1  }
.LBB2_1:
0xf: {  	[tilespmem:s3], [sflag:$0x1] =	stream.linear.gather [hbm4b:s5+s3], $0x2780, $0x38;
	[tilespmem:$0x1CC00] =	vst v63  }
0x10: {  	_ =	swait.ge [sflag:s10], $0x2780  }
0x11: {  	[sflag:s10] =	ssyncset.done $0x0  }
0x12: {  	[sflag:s10] =	ssyncadd.s32 $0xFFFFD880  }
0x13: {  	[tilespmem:s11], [sflag:$0x1] =	stream.linear.gather [hbm4b:s6+s3], $0x2780, $0x38;
	[tilespmem:$0x1CC00] =	vst v63  }
0x14: {  	_ =	swait.ge [sflag:s10], $0x2780  }
0x15: {  	[sflag:s10] =	ssyncset.done $0x0  }
0x16: {  	[sflag:s10] =	ssyncadd.s32 $0xFFFFD880  }
0x17: {  	[spmem:s13], [sflag:s12] =	dma.local [hbm:s7], $0x2780  }
0x18: {  	_ =	swait.ge [sflag:s10], $0x2780  }
0x19: {  	[sflag:s10] =	ssyncset.done $0x0  }
0x1a: {  	[sflag:s10] =	ssyncadd.s32 $0xFFFFD880  }
0x1b: {  	s17 =	simm.s32 $0x0;
	[bflag:$0x0] =	sbarrier.arrive $0xFFFF  }
0x1c: {  	[tilespmem:s15], [sflag:$0x1] =	stream.indirect.gather [hbm4b:s4+s14], $0x80, s17, s14, $0xb8;
	[tilespmem:$0x1CC00] =	vst v63  }
0x1d: {  	_ =	swait.ge [sflag:s10], $0x4000  }
0x1e: {  	[sflag:s10] =	ssyncset.done $0x0  }
0x1f: {  	s31 =	simm.s32 $0x2800;
	[sflag:s10] =	ssyncadd.s32 $0xFFFFC000  }
0x20: {  	[spmem:s2] =	stream.indirect.scatter.add.f32 [tilespmem:s15], [sflag:$0x1], $0x80, s31, s14, $0xb8;
	[tilespmem:$0x1CC00] =	vst v63  }
0x21: {  	_ =	swait.ge [sflag:s10], $0x4000  }
0x22: {  	s18 =	simm.s32 $0x400;
	s17 =	simm.s32 $0x200;
	[sflag:s10] =	ssyncset.done $0x0  }
.LBB2_2:
0x23: {  	s19 =	sshra.s32 s17, $0x2  }
0x24: {  	[sflag:s10] =	ssyncadd.s32 $0xFFFFC000;
	s17 =	smov.u32 s18;
	s20 =	sadd.s32 $0x200, s18  }
0x25: {  	[tilespmem:s15], [sflag:$0x1] =	stream.indirect.gather [hbm4b:s4+s14], $0x80, s19, s14, $0xb8;
	[tilespmem:$0x1CC00] =	vst v63  }
0x26: {  	p0 =	sne.s32 s18, $0x9C00;
	_ =	swait.ge [sflag:s10], $0x4000  }
.Ltmp0:
0x27: {  	[sflag:s10] =	ssyncset.done $0x0;
	(pc) =	sbr.rel @p0 .LBB2_2-.Ltmp0, $4  }
0x28: {  	s18 =	sadd.s32 $0x2800, s19;
	[sflag:s10] =	ssyncadd.s32 $0xFFFFC000  }
0x29: {  	[spmem:s2] =	stream.indirect.scatter.add.f32 [tilespmem:s15], [sflag:$0x1], $0x80, s18, s14, $0xb8;
	[tilespmem:$0x1CC00] =	vst v63  }
0x2a: {  	_ =	swait.ge [sflag:s10], $0x4000  }
0x2b: {  	s18 =	smov.u32 s20;
	[sflag:s10] =	ssyncset.done $0x0  }
0x2c: {  	s17 =	sshra.s32 s17, $0x2;
	[sflag:s10] =	ssyncadd.s32 $0xFFFFC000  }
0x2d: {  	[tilespmem:s15], [sflag:$0x1] =	stream.indirect.gather [hbm4b:s4+s14], $0x80, s17, s14, $0xb8;
	[tilespmem:$0x1CC00] =	vst v63  }
0x2e: {  	_ =	swait.ge [sflag:s10], $0x4000  }
0x2f: {  	[sflag:s10] =	ssyncset.done $0x0  }
0x30: {  	s17 =	sadd.s32 $0x2800, s17;
	[sflag:s10] =	ssyncadd.s32 $0xFFFFC000  }
0x31: {  	[spmem:s2] =	stream.indirect.scatter.add.f32 [tilespmem:s15], [sflag:$0x1], $0x80, s17, s14, $0xb8;
	[tilespmem:$0x1CC00] =	vst v63  }
0x32: {  	_ =	swait.ge [sflag:s10], $0x4000  }
0x33: {  	s16 =	sadd.s32 $0x1, s16;
	[sflag:s10] =	ssyncset.done $0x0  }
0x34: {  	p0 =	sne.s32 s16, s9;
	[sflag:s10] =	ssyncadd.s32 $0xFFFFC000  }
.Ltmp1:
0x35: {  	[bflag:$0x0] =	sbarrier.arrive $0xFFFF;
	(pc) =	sbr.rel @p0 .LBB2_1-.Ltmp1, $4  }
0x36: {  	[hbm:s8], [sflag:s12] =	dma.local [spmem:s13], $0x2780  }
0x37: {  	_ =	swait.ge [sflag:s10], $0x2780  }
0x38: {  	[sflag:s10] =	ssyncset.done $0x0  }
0x39: {  	[sflag:s10] =	ssyncadd.s32 $0xFFFFD880  }
0x3a: {  	_ =	sfence.sel $0x180000  }
0x3b: {  	[bflag:$0x0] =	sbarrier.arrive $0xFFFF  }
0x3c: {  	p0 =	sne.s32 s0, $0x0;
	_ =	strace $0x9000004A  }
0x3d: {  	s0 =	sadd.s32 @!p0 $0x100000, s1;
	[bflag:$0x2] =	sbarrier.arrive $0xFFFF  }
0x3e: {  	[sflag:s0] =	ssyncadd.tile.s32 @!p0 $0x1;
	_ =	shalt  }
.Lfunc_end2:
_tile_overlayer_lowered:
.L_overlay_start_2:
0x3f: {  	(tag) =	ssettag $0x2  }
0x40: {  	s0 =	rddreg [dreg:$0x0];
	s2 =	stileid.u32  }
0x41: {  	s1 =	rddreg [dreg:$0x1];
	p0 =	sne.s32 s2, $0x0  }
0x42: {  	s3 =	rddreg [dreg:$0x2];
	[bflag:$0x3] =	sbarrier.arrive $0xFFFF;
	s2 =	simm.s32 @!p0 $0x1C01  }
0x43: {  	[timem:s3], [sflag:s2] =	dma.local @!p0 [hbm:s0], s1  }
0x44: {  	s0 =	simm.s32 @!p0 $0x1  }
0x45: {  	_ =	swait.ge @!p0 [sflag:s0], s1  }
0x46: {  	s1 =	ssub.s32 @!p0 $0x0, s1;
	[sflag:s0] =	ssyncset.done @!p0 $0x0  }
0x47: {  	[sflag:s0] =	ssyncadd.s32 @!p0 s1  }
0x48: {  	[bflag:$0x3] =	sbarrier.arrive $0xFFFF  }
0x49: {  	_ =	shalt  }

// kernel: kernel.15.cloned.1.call-start
scs
__scs_entry_jumppad:
0x0: {  	(pc) =	sbr.rel $0x88, $3  }
0x1: {  	(tag) =	ssettag $0x0;
	lr =	simm.s32 $0x1  }
0x2: {  	[smem:$0x3F9B] =	sst lr;
	_ =	strace $0xD0000000  }
0x3: {  	_ = 	snop  }
0x4: {  	_ = 	snop  }
0x5: {  	_ = 	snop  }
0x6: {  	_ = 	snop  }
0x7: {  	_ = 	snop  }
__scs_overlays_trampoline_lowered:
0x8: {  	[smem:$0x3FAA] =	sst s0  }
0x9: {  	[smem:$0x3FAB] =	sst s1  }
0xa: {  	[smem:$0x3FAC] =	sst s2  }
0xb: {  	[smem:$0x3FAD] =	sst s3  }
0xc: {  	[smem:$0x3FAE] =	sst s4  }
0xd: {  	[smem:$0x3FAF] =	sst s5  }
0xe: {  	[smem:$0x3FB0] =	sst s6  }
0xf: {  	[smem:$0x3FB1] =	sst s7  }
0x10: {  	[smem:$0x3FB2] =	sst s8  }
0x11: {  	[smem:$0x3FB3] =	sst s9;
	s0 =	simm.s32 @!p0 $0x0  }
0x12: {  	s1 =	sld [smem:$0x3F99];
	s0 =	simm.s32 @p0 $0x1  }
0x13: {  	[smem:$0x3FB4] =	sst s0;
	s0 =	simm.s32 @!p1 $0x0  }
0x14: {  	s2 =	sld [smem:$0x3F98];
	s0 =	simm.s32 @p1 $0x1  }
0x15: {  	[smem:$0x3FB5] =	sst s0;
	s0 =	simm.s32 @!p2 $0x0  }
0x16: {  	s3 =	sld [smem:$0x3FDB];
	s0 =	simm.s32 @p2 $0x1  }
0x17: {  	s4 =	simm.s32 $0x1BF5;
	[smem:$0x3FB7] =	sst s0  }
0x18: {  	s0 =	sld [smem:$0x3F9A];
	_ =	swait.ge [sflag:s4], $0x0  }
0x19: {  	s7 =	sld [smem:$0x3F9B]  }
0x1a: {  	s8 =	sadd.s32 $0xFFFFE003, lr  }
0x1b: {  	s9 =	sadd.s32 $0xFFFFFEF7, lr;
	s5 =	simm.s32 $0xFFFFFFFF;
	p2 =	slt.u32 s8, $0xFFFFF086  }
0x1c: {  	p1 =	slt.u32 s9, $0xF7A;
	s5 =	simm.s32 @!p2 $0x0  }
0x1d: {  	s5 =	simm.s32 @p1 $0x1;
	p0 =	seq.s32 s7, s2  }
0x1e: {  	s7 =	smul.u32 @!p0 $0xF7A, s2;
	p2 =	seq.s32 @!p0 s5, $0x0  }
0x1f: {  	s9 =	smul.u32 $0xF7A, s1;
	s8 =	simm.s32 @!p0 $0x1BF5;
	p2 =	por !p2, p0  }
0x20: {  	[sflag:s8] =	ssyncset.s32 @!p0 $0xFFFFF086;
	s6 =	sadd.s32 @!p0 s3, s7;
	s7 =	simm.s32 @!p0 $0x108  }
0x21: {  	s3 =	sadd.s32 s3, s9;
	s6 =	sadd.s32 @!p0 $0x88, s6;
	s7 =	simm.s32 @p2 $0x1082  }
0x22: {  	[simem:s7], [sflag:s8] =	dma.local @!p0 [hbm:s6], $0xF7A  }
0x23: {  	s9 =	sor.u32 $0xD0000000, s2;
	s6 =	simm.s32 $0x108;
	_ =	swait.ge @!p0 [sflag:s8], $0x0  }
0x24: {  	s3 =	sadd.s32 $0x88, s3;
	s6 =	simm.s32 @!p1 $0x1082;
	[sflag:s4] =	ssyncset.s32 $0xFFFFF086  }
0x25: {  	[simem:s6], [sflag:s4] =	dma.local [hbm:s3], $0xF7A  }
0x26: {  	[smem:$0x3F9B] =	sst s1;
	(tag) =	ssettag s2;
	_ =	strace s9  }
0x27: {  	s1 =	sld [smem:$0x3FAB]  }
0x28: {  	s2 =	sld [smem:$0x3FAC]  }
0x29: {  	s4 =	sld [smem:$0x3FAE]  }
0x2a: {  	p0 =	seq.s32 s5, $0x0;
	s5 =	sld [smem:$0x3FAF]  }
0x2b: {  	s6 =	sld [smem:$0x3FB0]  }
0x2c: {  	s7 =	sld [smem:$0x3FB1]  }
0x2d: {  	s3 =	simm.s32 $0x108;
	s8 =	sld [smem:$0x3FB2]  }
0x2e: {  	s3 =	simm.s32 @!p0 $0x1082;
	s9 =	sld [smem:$0x3FB3]  }
0x2f: {  	lr =	sadd.s32 s0, s3;
	s0 =	sld [smem:$0x3FAA]  }
0x30: {  	s3 =	sld [smem:$0x3FAD]  }
0x31: {  	[smem:$0x3FB6] =	sst s10  }
0x32: {  	s10 =	sld [smem:$0x3FB4];
	_ =	sdelay $0x3  }
0x33: {  	p0 =	seq.s32 s10, $0x1;
	s10 =	sld [smem:$0x3FB6];
	_ =	sdelay $0x3  }
0x34: {  	[smem:$0x3FB6] =	sst s10  }
0x35: {  	s10 =	sld [smem:$0x3FB5];
	_ =	sdelay $0x3  }
0x36: {  	p1 =	seq.s32 s10, $0x1;
	s10 =	sld [smem:$0x3FB6];
	_ =	sdelay $0x3  }
0x37: {  	[smem:$0x3FB6] =	sst s10  }
0x38: {  	s10 =	sld [smem:$0x3FB7]  }
0x39: {  	_ = 	snop;
	(pc) =	sbr.ind lr, $3  }
0x3a: {  	_ = 	snop  }
0x3b: {  	_ = 	snop  }
0x3c: {  	p2 =	seq.s32 s10, $0x1;
	s10 =	sld [smem:$0x3FB6]  }
0x3d: {  	_ =	shalt  }
0x3e: {  	_ =	shalt  }
0x3f: {  	_ =	shalt  }
0x40: {  	_ =	shalt  }
0x41: {  	_ =	shalt  }
0x42: {  	_ =	shalt  }
0x43: {  	_ =	shalt  }
0x44: {  	_ =	shalt  }
0x45: {  	_ =	shalt  }
0x46: {  	_ =	shalt  }
0x47: {  	_ =	shalt  }
0x48: {  	_ =	shalt  }
0x49: {  	_ =	shalt  }
0x4a: {  	_ =	shalt  }
0x4b: {  	_ =	shalt  }
0x4c: {  	_ =	shalt  }
0x4d: {  	_ =	shalt  }
0x4e: {  	_ =	shalt  }
0x4f: {  	_ =	shalt  }
0x50: {  	_ =	shalt  }
0x51: {  	_ =	shalt  }
0x52: {  	_ =	shalt  }
0x53: {  	_ =	shalt  }
0x54: {  	_ =	shalt  }
0x55: {  	_ =	shalt  }
0x56: {  	_ =	shalt  }
0x57: {  	_ =	shalt  }
0x58: {  	_ =	shalt  }
0x59: {  	_ =	shalt  }
0x5a: {  	_ =	shalt  }
0x5b: {  	_ =	shalt  }
0x5c: {  	_ =	shalt  }
0x5d: {  	_ =	shalt  }
0x5e: {  	_ =	shalt  }
0x5f: {  	_ =	shalt  }
0x60: {  	_ =	shalt  }
0x61: {  	_ =	shalt  }
0x62: {  	_ =	shalt  }
0x63: {  	_ =	shalt  }
0x64: {  	_ =	shalt  }
0x65: {  	_ =	shalt  }
0x66: {  	_ =	shalt  }
0x67: {  	_ =	shalt  }
0x68: {  	_ =	shalt  }
0x69: {  	_ =	shalt  }
0x6a: {  	_ =	shalt  }
0x6b: {  	_ =	shalt  }
0x6c: {  	_ =	shalt  }
0x6d: {  	_ =	shalt  }
0x6e: {  	_ =	shalt  }
0x6f: {  	_ =	shalt  }
0x70: {  	_ =	shalt  }
0x71: {  	_ =	shalt  }
0x72: {  	_ =	shalt  }
0x73: {  	_ =	shalt  }
0x74: {  	_ =	shalt  }
0x75: {  	_ =	shalt  }
0x76: {  	_ =	shalt  }
0x77: {  	_ =	shalt  }
0x78: {  	_ =	shalt  }
0x79: {  	_ =	shalt  }
0x7a: {  	_ =	shalt  }
0x7b: {  	_ =	shalt  }
0x7c: {  	_ =	shalt  }
0x7d: {  	_ =	shalt  }
0x7e: {  	_ =	shalt  }
0x7f: {  	_ =	shalt  }
0x80: {  	_ =	shalt  }
0x81: {  	_ =	shalt  }
0x82: {  	_ =	shalt  }
0x83: {  	_ =	shalt  }
0x84: {  	_ =	shalt  }
0x85: {  	_ =	shalt  }
0x86: {  	_ =	shalt  }
0x87: {  	_ =	shalt  }
.Lfunc_end0:
.L_simem_size_0:
called_computation.2_lowered:
.L_overlay_start_0:
0x88: {  	s2 =	sld [smem:$0x3FD9]  }
0x89: {  	s3 =	sld [smem:$0x3FFE];
	_ =	sdelay $0x1  }
0x8a: {  	s1 =	srdreg.scid  }
0x8b: {  	s0 =	sand.u32 $0x1, s1  }
0x8c: {  	s16 =	sshll.u32 s0, $0xA;
	s2 =	sadd.s32 s3, s2  }
0x8d: {  	s2 =	sadd.s32 s2, s16  }
0x8e: {  	[smem:$0x3FC2] =	sst s2  }
0x8f: {  	_ = 	snop  }
0x90: {  	(tm) =	ssettm $0x1  }
0x91: {  	s17 =	sld [smem:$0x3FFB];
	_ =	sdelay $0x3  }
0x92: {  	_ =	strace s17  }
0x93: {  	s2 =	sld [smem:$0x3FFC];
	_ =	sdelay $0x3  }
0x94: {  	_ =	strace s2  }
0x95: {  	s2 =	sld [smem:$0x3FFD];
	_ =	sdelay $0x3  }
0x96: {  	_ =	strace s2  }
0x97: {  	_ =	strace $0x8FFFFFFF  }
0x98: {  	s18 =	sld [smem:$0x3FDB];
	_ =	sdelay $0x1  }
0x99: {  	s19 =	simm.s32 $_scs_section_size  }
0x9a: {  	s4 =	simm.s32 $_size__tile_overlayer_lowered;
	s5 =	simm.s32 $_tile_overlayer_lowered  }
0x9b: {  	s22 =	simm.s32 $0x1BFF;
	s21 =	sshll.u32 s5, $0x1;
	s2 =	sadd.s32 s19, s18  }
0x9c: {  	s6 =	simm.s32 $0x0;
	s20 =	sshll.u32 s4, $0x1;
	s4 =	sadd.s32 s21, s2  }
0x9d: {  	[timem:s6], [sflag:s22] =	dma.local [hbm:s4], s20  }
0x9e: {  	_ =	swait.ge [sflag:s22], s20  }
0x9f: {  	s3 =	ssub.s32 $0x0, s20;
	[sflag:s22] =	ssyncset.done $0x0  }
0xa0: {  	[sflag:s22] =	ssyncadd.s32 s3;
	_ =	sdelay $0x1  }
0xa1: {  	s23 =	simm.s32 $0x1B8B  }
0xa2: {  	_ =	swait.ge [sflag:s23], $0x1  }
0xa3: {  	[sflag:s23] =	ssyncset.done $0x0  }
0xa4: {  	s25 =	simm.s32 $0x1B8E;
	s24 =	sld [smem:$0x3FFE];
	[sflag:s23] =	ssyncadd.s32 $0xFFFFFFFF  }
0xa5: {  	s26 =	simm.s32 $execute0_lowered;
	[smem:$0x3FD2] =	sst s25  }
0xa6: {  	s4 =	sshll.u32 s26, $0x1;
	_ =	strace $0x8000004C;
	[dreg:$0x1] =	wrdreg $0xFFFFFFFF  }
0xa7: {  	s28 =	simm.s32 $_size_execute0_lowered;
	s2 =	sadd.s32 s2, s4;
	[dreg:$0x0] =	wrdreg $0x0  }
0xa8: {  	s4 =	sshll.u32 s28, $0x1;
	[dreg:$0x2] =	wrdreg s2  }
0xa9: {  	[dreg:$0x3] =	wrdreg s4  }
0xaa: {  	[dreg:$0x4] =	wrdreg $0xC0  }
0xab: {  	_ =	task [dreg:s6], $0x5FFFF  }
0xac: {  	[dreg:$0x1] =	wrdreg $0xFFFFFFFF  }
0xad: {  	[dreg:$0x0] =	wrdreg $0x60  }
0xae: {  	[dreg:$0x2] =	wrdreg s24  }
0xaf: {  	[dreg:$0x3] =	wrdreg $0x90000  }
0xb0: {  	[dreg:$0x4] =	wrdreg $0x9  }
0xb1: {  	_ =	task.clear_ibuf [dreg:s6], $0x5FFFF;
	_ =	strace $0x9000004C  }
0xb2: {  	s29 =	simm.s32 $0x9;
	_ =	strace $0x8000004E  }
0xb3: {  	_ =	swait.ge [sflag:s29], $0x1  }
0xb4: {  	[sflag:s29] =	ssyncadd.s32 $0xFFFFFFFF  }
0xb5: {  	_ =	strace $0x9000004E  }
0xb6: {  	_ =	sfence  }
0xb7: {  	s30 =	sld [smem:$0x0];
	_ =	sdelay $0x2  }
0xb8: {  	s31 =	sshll.u32 s1, $0xD;
	s1 =	sshrl.u32 s1, $0x2  }
0xb9: {  	s3 =	sand.u32 $0x4000, s31;
	s1 =	sadd.s32 s1, s30  }
0xba: {  	s0 =	sor.u32 s3, s0;
	s1 =	sshll.u32 s1, $0x11  }
0xbb: {  	s0 =	sor.u32 s1, s0  }
0xbc: {  	s0 =	sadd.s32 $0x8F2B, s0  }
0xbd: {  	[sflag:s0] =	ssyncadd.remote.s32 $0x1  }
0xbe: {  	_ =	sfence.sel $0xFFFF  }
0xbf: {  	[dreg:$0x0] =	wrdreg $0xFFFFFFFF;
	(pc) =	sbr.abs _section_cstart, $3  }
0xc0: {  	[dreg:$0x1] =	wrdreg $0xFFFFFFFF  }
0xc1: {  	_ =	task.clear_ibuf [dreg:s6], $0x2FFFF;
	_ =	strace $0x9FFFFFFF  }
0xc2: {  	(tm) =	ssettm $0x7FFFFFFF  }
0xc3: {  	_ =	shalt  }
tec
execute0_lowered:
.L_overlay_start_1:
0x0: {  	(tag) =	ssettag $0x1  }
0x1: {  	s6 =	rddreg [dreg:$0x0]  }
0x2: {  	s0 =	srdreg.scid;
	s2 =	rddreg [dreg:$0x1]  }
0x3: {  	s3 =	simm.s32 $0x0;
	s14 =	simm.s32 $0x80;
	s15 =	simm.s32 $0x5000  }
0x4: {  	s16 =	simm.s32 $0x0;
	s5 =	sand.u32 $0x1, s0;
	s0 =	stileid.u32  }
0x5: {  	[smem:$0x7FF] =	sst s3;
	s4 =	sadd.s32 $0x16800, s6;
	s8 =	smul.u32 $0x13C00, s0  }
0x6: {  	s1 =	sshll.u32 s5, $0x4;
	s9 =	smul.u32 $0x13C000, s5;
	s5 =	ssub.s32 $0x2, s5  }
0x7: {  	s11 =	smul.u32 $0x4F000, s0;
	s12 =	sshll.u32 s0, $0x6;
	s1 =	sor.u32 s0, s1  }
0x8: {  	s10 =	sshrl.u32 s5, $0x1;
	s12 =	sor.u32 $0x1C01, s12;
	s7 =	smul.u32 $0x500, s1  }
0x9: {  	s1 =	rddreg [dreg:$0x2];
	_ =	strace $0x8000004D;
	s9 =	sadd.s32 s8, s9  }
0xa: {  	s10 =	ssub.s32 s5, s10;
	s31 =	sshrl.u32 s11, $0x2;
	s8 =	sshrl.u32 s8, $0x3  }
0xb: {  	s11 =	simm.s32 $0x2800;
	s9 =	sshrl.u32 s9, $0x3;
	s13 =	sadd.s32 s31, s2  }
0xc: {  	s7 =	sadd.s32 s7, s6;
	s9 =	sadd.s32 s9, s6;
	s13 =	sshrl.u32 s13, $0x3  }
0xd: {  	s5 =	sadd.s32 $0x2800, s7;
	s6 =	sadd.s32 $0xC800, s7;
	s7 =	sadd.s32 s4, s8  }
0xe: {  	s8 =	sadd.s32 $0x65800, s9;
	s9 =	smax.u32 s10, $0x1;
	s10 =	simm.s32 $0x1  }
.LBB2_1:
0xf: {  	[tilespmem:s3], [sflag:$0x1] =	stream.linear.gather [hbm4b:s5+s3], $0x2780, $0x38;
	[tilespmem:$0x1CC00] =	vst v63  }
0x10: {  	_ =	swait.ge [sflag:s10], $0x2780  }
0x11: {  	[sflag:s10] =	ssyncset.done $0x0  }
0x12: {  	[sflag:s10] =	ssyncadd.s32 $0xFFFFD880  }
0x13: {  	[tilespmem:s11], [sflag:$0x1] =	stream.linear.gather [hbm4b:s6+s3], $0x2780, $0x38;
	[tilespmem:$0x1CC00] =	vst v63  }
0x14: {  	_ =	swait.ge [sflag:s10], $0x2780  }
0x15: {  	[sflag:s10] =	ssyncset.done $0x0  }
0x16: {  	[sflag:s10] =	ssyncadd.s32 $0xFFFFD880  }
0x17: {  	[spmem:s13], [sflag:s12] =	dma.local [hbm:s7], $0x2780  }
0x18: {  	_ =	swait.ge [sflag:s10], $0x2780  }
0x19: {  	[sflag:s10] =	ssyncset.done $0x0  }
0x1a: {  	[sflag:s10] =	ssyncadd.s32 $0xFFFFD880  }
0x1b: {  	s17 =	simm.s32 $0x0;
	[bflag:$0x0] =	sbarrier.arrive $0xFFFF  }
0x1c: {  	[tilespmem:s15], [sflag:$0x1] =	stream.indirect.gather [hbm4b:s4+s14], $0x80, s17, s14, $0xb8;
	[tilespmem:$0x1CC00] =	vst v63  }
0x1d: {  	_ =	swait.ge [sflag:s10], $0x4000  }
0x1e: {  	[sflag:s10] =	ssyncset.done $0x0  }
0x1f: {  	s31 =	simm.s32 $0x2800;
	[sflag:s10] =	ssyncadd.s32 $0xFFFFC000  }
0x20: {  	[spmem:s2] =	stream.indirect.scatter.add.f32 [tilespmem:s15], [sflag:$0x1], $0x80, s31, s14, $0xb8;
	[tilespmem:$0x1CC00] =	vst v63  }
0x21: {  	_ =	swait.ge [sflag:s10], $0x4000  }
0x22: {  	s18 =	simm.s32 $0x400;
	s17 =	simm.s32 $0x200;
	[sflag:s10] =	ssyncset.done $0x0  }
.LBB2_2:
0x23: {  	s19 =	sshra.s32 s17, $0x2  }
0x24: {  	[sflag:s10] =	ssyncadd.s32 $0xFFFFC000;
	s17 =	smov.u32 s18;
	s20 =	sadd.s32 $0x200, s18  }
0x25: {  	[tilespmem:s15], [sflag:$0x1] =	stream.indirect.gather [hbm4b:s4+s14], $0x80, s19, s14, $0xb8;
	[tilespmem:$0x1CC00] =	vst v63  }
0x26: {  	p0 =	sne.s32 s18, $0x9C00;
	_ =	swait.ge [sflag:s10], $0x4000  }
.Ltmp0:
0x27: {  	[sflag:s10] =	ssyncset.done $0x0;
	(pc) =	sbr.rel @p0 .LBB2_2-.Ltmp0, $4  }
0x28: {  	s18 =	sadd.s32 $0x2800, s19;
	[sflag:s10] =	ssyncadd.s32 $0xFFFFC000  }
0x29: {  	[spmem:s2] =	stream.indirect.scatter.add.f32 [tilespmem:s15], [sflag:$0x1], $0x80, s18, s14, $0xb8;
	[tilespmem:$0x1CC00] =	vst v63  }
0x2a: {  	_ =	swait.ge [sflag:s10], $0x4000  }
0x2b: {  	s18 =	smov.u32 s20;
	[sflag:s10] =	ssyncset.done $0x0  }
0x2c: {  	s17 =	sshra.s32 s17, $0x2;
	[sflag:s10] =	ssyncadd.s32 $0xFFFFC000  }
0x2d: {  	[tilespmem:s15], [sflag:$0x1] =	stream.indirect.gather [hbm4b:s4+s14], $0x80, s17, s14, $0xb8;
	[tilespmem:$0x1CC00] =	vst v63  }
0x2e: {  	_ =	swait.ge [sflag:s10], $0x4000  }
0x2f: {  	[sflag:s10] =	ssyncset.done $0x0  }
0x30: {  	s17 =	sadd.s32 $0x2800, s17;
	[sflag:s10] =	ssyncadd.s32 $0xFFFFC000  }
0x31: {  	[spmem:s2] =	stream.indirect.scatter.add.f32 [tilespmem:s15], [sflag:$0x1], $0x80, s17, s14, $0xb8;
	[tilespmem:$0x1CC00] =	vst v63  }
0x32: {  	_ =	swait.ge [sflag:s10], $0x4000  }
0x33: {  	s16 =	sadd.s32 $0x1, s16;
	[sflag:s10] =	ssyncset.done $0x0  }
0x34: {  	p0 =	sne.s32 s16, s9;
	[sflag:s10] =	ssyncadd.s32 $0xFFFFC000  }
.Ltmp1:
0x35: {  	[bflag:$0x0] =	sbarrier.arrive $0xFFFF;
	(pc) =	sbr.rel @p0 .LBB2_1-.Ltmp1, $4  }
0x36: {  	[hbm:s8], [sflag:s12] =	dma.local [spmem:s13], $0x2780  }
0x37: {  	_ =	swait.ge [sflag:s10], $0x2780  }
0x38: {  	[sflag:s10] =	ssyncset.done $0x0  }
0x39: {  	[sflag:s10] =	ssyncadd.s32 $0xFFFFD880  }
0x3a: {  	_ =	sfence.sel $0x180000  }
0x3b: {  	[bflag:$0x0] =	sbarrier.arrive $0xFFFF  }
0x3c: {  	p0 =	sne.s32 s0, $0x0;
	_ =	strace $0x9000004D  }
0x3d: {  	s0 =	sadd.s32 @!p0 $0x100000, s1;
	[bflag:$0x2] =	sbarrier.arrive $0xFFFF  }
0x3e: {  	[sflag:s0] =	ssyncadd.tile.s32 @!p0 $0x1;
	_ =	shalt  }
.Lfunc_end2:
_tile_overlayer_lowered:
.L_overlay_start_2:
0x3f: {  	(tag) =	ssettag $0x2  }
0x40: {  	s0 =	rddreg [dreg:$0x0];
	s2 =	stileid.u32  }
0x41: {  	s1 =	rddreg [dreg:$0x1];
	p0 =	sne.s32 s2, $0x0  }
0x42: {  	s3 =	rddreg [dreg:$0x2];
	[bflag:$0x3] =	sbarrier.arrive $0xFFFF;
	s2 =	simm.s32 @!p0 $0x1C01  }
0x43: {  	[timem:s3], [sflag:s2] =	dma.local @!p0 [hbm:s0], s1  }
0x44: {  	s0 =	simm.s32 @!p0 $0x1  }
0x45: {  	_ =	swait.ge @!p0 [sflag:s0], s1  }
0x46: {  	s1 =	ssub.s32 @!p0 $0x0, s1;
	[sflag:s0] =	ssyncset.done @!p0 $0x0  }
0x47: {  	[sflag:s0] =	ssyncadd.s32 @!p0 s1  }
0x48: {  	[bflag:$0x3] =	sbarrier.arrive $0xFFFF  }
0x49: {  	_ =	shalt  }

// kernel: kernel.9.cloned.1.call-start
scs
__scs_entry_jumppad:
0x0: {  	(pc) =	sbr.rel $0x88, $3  }
0x1: {  	(tag) =	ssettag $0x0;
	lr =	simm.s32 $0x1  }
0x2: {  	[smem:$0x3F9B] =	sst lr;
	_ =	strace $0xD0000000  }
0x3: {  	_ = 	snop  }
0x4: {  	_ = 	snop  }
0x5: {  	_ = 	snop  }
0x6: {  	_ = 	snop  }
0x7: {  	_ = 	snop  }
__scs_overlays_trampoline_lowered:
0x8: {  	[smem:$0x3FAA] =	sst s0  }
0x9: {  	[smem:$0x3FAB] =	sst s1  }
0xa: {  	[smem:$0x3FAC] =	sst s2  }
0xb: {  	[smem:$0x3FAD] =	sst s3  }
0xc: {  	[smem:$0x3FAE] =	sst s4  }
0xd: {  	[smem:$0x3FAF] =	sst s5  }
0xe: {  	[smem:$0x3FB0] =	sst s6  }
0xf: {  	[smem:$0x3FB1] =	sst s7  }
0x10: {  	[smem:$0x3FB2] =	sst s8  }
0x11: {  	[smem:$0x3FB3] =	sst s9;
	s0 =	simm.s32 @!p0 $0x0  }
0x12: {  	s1 =	sld [smem:$0x3F99];
	s0 =	simm.s32 @p0 $0x1  }
0x13: {  	[smem:$0x3FB4] =	sst s0;
	s0 =	simm.s32 @!p1 $0x0  }
0x14: {  	s2 =	sld [smem:$0x3F98];
	s0 =	simm.s32 @p1 $0x1  }
0x15: {  	[smem:$0x3FB5] =	sst s0;
	s0 =	simm.s32 @!p2 $0x0  }
0x16: {  	s3 =	sld [smem:$0x3FDB];
	s0 =	simm.s32 @p2 $0x1  }
0x17: {  	s4 =	simm.s32 $0x1BF5;
	[smem:$0x3FB7] =	sst s0  }
0x18: {  	s0 =	sld [smem:$0x3F9A];
	_ =	swait.ge [sflag:s4], $0x0  }
0x19: {  	s7 =	sld [smem:$0x3F9B]  }
0x1a: {  	s8 =	sadd.s32 $0xFFFFE003, lr  }
0x1b: {  	s9 =	sadd.s32 $0xFFFFFEF7, lr;
	s5 =	simm.s32 $0xFFFFFFFF;
	p2 =	slt.u32 s8, $0xFFFFF086  }
0x1c: {  	p1 =	slt.u32 s9, $0xF7A;
	s5 =	simm.s32 @!p2 $0x0  }
0x1d: {  	s5 =	simm.s32 @p1 $0x1;
	p0 =	seq.s32 s7, s2  }
0x1e: {  	s7 =	smul.u32 @!p0 $0xF7A, s2;
	p2 =	seq.s32 @!p0 s5, $0x0  }
0x1f: {  	s9 =	smul.u32 $0xF7A, s1;
	s8 =	simm.s32 @!p0 $0x1BF5;
	p2 =	por !p2, p0  }
0x20: {  	[sflag:s8] =	ssyncset.s32 @!p0 $0xFFFFF086;
	s6 =	sadd.s32 @!p0 s3, s7;
	s7 =	simm.s32 @!p0 $0x108  }
0x21: {  	s3 =	sadd.s32 s3, s9;
	s6 =	sadd.s32 @!p0 $0x88, s6;
	s7 =	simm.s32 @p2 $0x1082  }
0x22: {  	[simem:s7], [sflag:s8] =	dma.local @!p0 [hbm:s6], $0xF7A  }
0x23: {  	s9 =	sor.u32 $0xD0000000, s2;
	s6 =	simm.s32 $0x108;
	_ =	swait.ge @!p0 [sflag:s8], $0x0  }
0x24: {  	s3 =	sadd.s32 $0x88, s3;
	s6 =	simm.s32 @!p1 $0x1082;
	[sflag:s4] =	ssyncset.s32 $0xFFFFF086  }
0x25: {  	[simem:s6], [sflag:s4] =	dma.local [hbm:s3], $0xF7A  }
0x26: {  	[smem:$0x3F9B] =	sst s1;
	(tag) =	ssettag s2;
	_ =	strace s9  }
0x27: {  	s1 =	sld [smem:$0x3FAB]  }
0x28: {  	s2 =	sld [smem:$0x3FAC]  }
0x29: {  	s4 =	sld [smem:$0x3FAE]  }
0x2a: {  	p0 =	seq.s32 s5, $0x0;
	s5 =	sld [smem:$0x3FAF]  }
0x2b: {  	s6 =	sld [smem:$0x3FB0]  }
0x2c: {  	s7 =	sld [smem:$0x3FB1]  }
0x2d: {  	s3 =	simm.s32 $0x108;
	s8 =	sld [smem:$0x3FB2]  }
0x2e: {  	s3 =	simm.s32 @!p0 $0x1082;
	s9 =	sld [smem:$0x3FB3]  }
0x2f: {  	lr =	sadd.s32 s0, s3;
	s0 =	sld [smem:$0x3FAA]  }
0x30: {  	s3 =	sld [smem:$0x3FAD]  }
0x31: {  	[smem:$0x3FB6] =	sst s10  }
0x32: {  	s10 =	sld [smem:$0x3FB4];
	_ =	sdelay $0x3  }
0x33: {  	p0 =	seq.s32 s10, $0x1;
	s10 =	sld [smem:$0x3FB6];
	_ =	sdelay $0x3  }
0x34: {  	[smem:$0x3FB6] =	sst s10  }
0x35: {  	s10 =	sld [smem:$0x3FB5];
	_ =	sdelay $0x3  }
0x36: {  	p1 =	seq.s32 s10, $0x1;
	s10 =	sld [smem:$0x3FB6];
	_ =	sdelay $0x3  }
0x37: {  	[smem:$0x3FB6] =	sst s10  }
0x38: {  	s10 =	sld [smem:$0x3FB7]  }
0x39: {  	_ = 	snop;
	(pc) =	sbr.ind lr, $3  }
0x3a: {  	_ = 	snop  }
0x3b: {  	_ = 	snop  }
0x3c: {  	p2 =	seq.s32 s10, $0x1;
	s10 =	sld [smem:$0x3FB6]  }
0x3d: {  	_ =	shalt  }
0x3e: {  	_ =	shalt  }
0x3f: {  	_ =	shalt  }
0x40: {  	_ =	shalt  }
0x41: {  	_ =	shalt  }
0x42: {  	_ =	shalt  }
0x43: {  	_ =	shalt  }
0x44: {  	_ =	shalt  }
0x45: {  	_ =	shalt  }
0x46: {  	_ =	shalt  }
0x47: {  	_ =	shalt  }
0x48: {  	_ =	shalt  }
0x49: {  	_ =	shalt  }
0x4a: {  	_ =	shalt  }
0x4b: {  	_ =	shalt  }
0x4c: {  	_ =	shalt  }
0x4d: {  	_ =	shalt  }
0x4e: {  	_ =	shalt  }
0x4f: {  	_ =	shalt  }
0x50: {  	_ =	shalt  }
0x51: {  	_ =	shalt  }
0x52: {  	_ =	shalt  }
0x53: {  	_ =	shalt  }
0x54: {  	_ =	shalt  }
0x55: {  	_ =	shalt  }
0x56: {  	_ =	shalt  }
0x57: {  	_ =	shalt  }
0x58: {  	_ =	shalt  }
0x59: {  	_ =	shalt  }
0x5a: {  	_ =	shalt  }
0x5b: {  	_ =	shalt  }
0x5c: {  	_ =	shalt  }
0x5d: {  	_ =	shalt  }
0x5e: {  	_ =	shalt  }
0x5f: {  	_ =	shalt  }
0x60: {  	_ =	shalt  }
0x61: {  	_ =	shalt  }
0x62: {  	_ =	shalt  }
0x63: {  	_ =	shalt  }
0x64: {  	_ =	shalt  }
0x65: {  	_ =	shalt  }
0x66: {  	_ =	shalt  }
0x67: {  	_ =	shalt  }
0x68: {  	_ =	shalt  }
0x69: {  	_ =	shalt  }
0x6a: {  	_ =	shalt  }
0x6b: {  	_ =	shalt  }
0x6c: {  	_ =	shalt  }
0x6d: {  	_ =	shalt  }
0x6e: {  	_ =	shalt  }
0x6f: {  	_ =	shalt  }
0x70: {  	_ =	shalt  }
0x71: {  	_ =	shalt  }
0x72: {  	_ =	shalt  }
0x73: {  	_ =	shalt  }
0x74: {  	_ =	shalt  }
0x75: {  	_ =	shalt  }
0x76: {  	_ =	shalt  }
0x77: {  	_ =	shalt  }
0x78: {  	_ =	shalt  }
0x79: {  	_ =	shalt  }
0x7a: {  	_ =	shalt  }
0x7b: {  	_ =	shalt  }
0x7c: {  	_ =	shalt  }
0x7d: {  	_ =	shalt  }
0x7e: {  	_ =	shalt  }
0x7f: {  	_ =	shalt  }
0x80: {  	_ =	shalt  }
0x81: {  	_ =	shalt  }
0x82: {  	_ =	shalt  }
0x83: {  	_ =	shalt  }
0x84: {  	_ =	shalt  }
0x85: {  	_ =	shalt  }
0x86: {  	_ =	shalt  }
0x87: {  	_ =	shalt  }
.Lfunc_end0:
.L_simem_size_0:
called_computation_lowered:
.L_overlay_start_0:
0x88: {  	s2 =	sld [smem:$0x3FD9]  }
0x89: {  	s3 =	sld [smem:$0x3FFE];
	_ =	sdelay $0x1  }
0x8a: {  	s1 =	srdreg.scid  }
0x8b: {  	s0 =	sand.u32 $0x1, s1  }
0x8c: {  	s16 =	sshll.u32 s0, $0xA;
	s2 =	sadd.s32 s3, s2  }
0x8d: {  	s2 =	sadd.s32 s2, s16  }
0x8e: {  	[smem:$0x3FC2] =	sst s2  }
0x8f: {  	_ = 	snop  }
0x90: {  	(tm) =	ssettm $0x1  }
0x91: {  	s17 =	sld [smem:$0x3FFB];
	_ =	sdelay $0x3  }
0x92: {  	_ =	strace s17  }
0x93: {  	s2 =	sld [smem:$0x3FFC];
	_ =	sdelay $0x3  }
0x94: {  	_ =	strace s2  }
0x95: {  	s2 =	sld [smem:$0x3FFD];
	_ =	sdelay $0x3  }
0x96: {  	_ =	strace s2  }
0x97: {  	_ =	strace $0x8FFFFFFF  }
0x98: {  	s18 =	sld [smem:$0x3FDB];
	_ =	sdelay $0x1  }
0x99: {  	s19 =	simm.s32 $_scs_section_size  }
0x9a: {  	s4 =	simm.s32 $_size__tile_overlayer_lowered;
	s5 =	simm.s32 $_tile_overlayer_lowered  }
0x9b: {  	s22 =	simm.s32 $0x1BFF;
	s21 =	sshll.u32 s5, $0x1;
	s2 =	sadd.s32 s19, s18  }
0x9c: {  	s6 =	simm.s32 $0x0;
	s20 =	sshll.u32 s4, $0x1;
	s4 =	sadd.s32 s21, s2  }
0x9d: {  	[timem:s6], [sflag:s22] =	dma.local [hbm:s4], s20  }
0x9e: {  	_ =	swait.ge [sflag:s22], s20  }
0x9f: {  	s3 =	ssub.s32 $0x0, s20;
	[sflag:s22] =	ssyncset.done $0x0  }
0xa0: {  	[sflag:s22] =	ssyncadd.s32 s3;
	_ =	sdelay $0x1  }
0xa1: {  	s23 =	simm.s32 $0x1B8B  }
0xa2: {  	_ =	swait.ge [sflag:s23], $0x1  }
0xa3: {  	[sflag:s23] =	ssyncset.done $0x0  }
0xa4: {  	s25 =	simm.s32 $0x1B8E;
	s24 =	sld [smem:$0x3FFE];
	[sflag:s23] =	ssyncadd.s32 $0xFFFFFFFF  }
0xa5: {  	s26 =	simm.s32 $execute0_lowered;
	[smem:$0x3FD2] =	sst s25  }
0xa6: {  	s4 =	sshll.u32 s26, $0x1;
	_ =	strace $0x80000046;
	[dreg:$0x1] =	wrdreg $0xFFFFFFFF  }
0xa7: {  	s28 =	simm.s32 $_size_execute0_lowered;
	s2 =	sadd.s32 s2, s4;
	[dreg:$0x0] =	wrdreg $0x0  }
0xa8: {  	s4 =	sshll.u32 s28, $0x1;
	[dreg:$0x2] =	wrdreg s2  }
0xa9: {  	[dreg:$0x3] =	wrdreg s4  }
0xaa: {  	[dreg:$0x4] =	wrdreg $0xC0  }
0xab: {  	_ =	task [dreg:s6], $0x5FFFF  }
0xac: {  	[dreg:$0x1] =	wrdreg $0xFFFFFFFF  }
0xad: {  	[dreg:$0x0] =	wrdreg $0x60  }
0xae: {  	[dreg:$0x2] =	wrdreg s24  }
0xaf: {  	[dreg:$0x3] =	wrdreg $0x90000  }
0xb0: {  	[dreg:$0x4] =	wrdreg $0x9  }
0xb1: {  	_ =	task.clear_ibuf [dreg:s6], $0x5FFFF;
	_ =	strace $0x90000046  }
0xb2: {  	s29 =	simm.s32 $0x9;
	_ =	strace $0x80000048  }
0xb3: {  	_ =	swait.ge [sflag:s29], $0x1  }
0xb4: {  	[sflag:s29] =	ssyncadd.s32 $0xFFFFFFFF  }
0xb5: {  	_ =	strace $0x90000048  }
0xb6: {  	_ =	sfence  }
0xb7: {  	s30 =	sld [smem:$0x0];
	_ =	sdelay $0x2  }
0xb8: {  	s31 =	sshll.u32 s1, $0xD;
	s1 =	sshrl.u32 s1, $0x2  }
0xb9: {  	s3 =	sand.u32 $0x4000, s31;
	s1 =	sadd.s32 s1, s30  }
0xba: {  	s0 =	sor.u32 s3, s0;
	s1 =	sshll.u32 s1, $0x11  }
0xbb: {  	s0 =	sor.u32 s1, s0  }
0xbc: {  	s0 =	sadd.s32 $0x8F2B, s0  }
0xbd: {  	[sflag:s0] =	ssyncadd.remote.s32 $0x1  }
0xbe: {  	_ =	sfence.sel $0xFFFF  }
0xbf: {  	[dreg:$0x0] =	wrdreg $0xFFFFFFFF;
	(pc) =	sbr.abs _section_cstart, $3  }
0xc0: {  	[dreg:$0x1] =	wrdreg $0xFFFFFFFF  }
0xc1: {  	_ =	task.clear_ibuf [dreg:s6], $0x2FFFF;
	_ =	strace $0x9FFFFFFF  }
0xc2: {  	(tm) =	ssettm $0x7FFFFFFF  }
0xc3: {  	_ =	shalt  }
tec
execute0_lowered:
.L_overlay_start_1:
0x0: {  	(tag) =	ssettag $0x1  }
0x1: {  	s6 =	rddreg [dreg:$0x0]  }
0x2: {  	s0 =	srdreg.scid;
	s2 =	rddreg [dreg:$0x1]  }
0x3: {  	s3 =	simm.s32 $0x0;
	s14 =	simm.s32 $0x80;
	s15 =	simm.s32 $0x5000  }
0x4: {  	s16 =	simm.s32 $0x0;
	s5 =	sand.u32 $0x1, s0;
	s0 =	stileid.u32  }
0x5: {  	[smem:$0x7FF] =	sst s3;
	s4 =	sadd.s32 $0x16800, s6;
	s8 =	smul.u32 $0x13C00, s0  }
0x6: {  	s1 =	sshll.u32 s5, $0x4;
	s9 =	smul.u32 $0x13C000, s5;
	s5 =	ssub.s32 $0x2, s5  }
0x7: {  	s11 =	smul.u32 $0x4F000, s0;
	s12 =	sshll.u32 s0, $0x6;
	s1 =	sor.u32 s0, s1  }
0x8: {  	s10 =	sshrl.u32 s5, $0x1;
	s12 =	sor.u32 $0x1C01, s12;
	s7 =	smul.u32 $0x500, s1  }
0x9: {  	s1 =	rddreg [dreg:$0x2];
	_ =	strace $0x80000047;
	s9 =	sadd.s32 s8, s9  }
0xa: {  	s10 =	ssub.s32 s5, s10;
	s31 =	sshrl.u32 s11, $0x2;
	s8 =	sshrl.u32 s8, $0x3  }
0xb: {  	s11 =	simm.s32 $0x2800;
	s9 =	sshrl.u32 s9, $0x3;
	s13 =	sadd.s32 s31, s2  }
0xc: {  	s7 =	sadd.s32 s7, s6;
	s9 =	sadd.s32 s9, s6;
	s13 =	sshrl.u32 s13, $0x3  }
0xd: {  	s5 =	sadd.s32 $0x2800, s7;
	s6 =	sadd.s32 $0xC800, s7;
	s7 =	sadd.s32 s4, s8  }
0xe: {  	s8 =	sadd.s32 $0x3E000, s9;
	s9 =	smax.u32 s10, $0x1;
	s10 =	simm.s32 $0x1  }
.LBB2_1:
0xf: {  	[tilespmem:s3], [sflag:$0x1] =	stream.linear.gather [hbm4b:s5+s3], $0x2780, $0x38;
	[tilespmem:$0x1CC00] =	vst v63  }
0x10: {  	_ =	swait.ge [sflag:s10], $0x2780  }
0x11: {  	[sflag:s10] =	ssyncset.done $0x0  }
0x12: {  	[sflag:s10] =	ssyncadd.s32 $0xFFFFD880  }
0x13: {  	[tilespmem:s11], [sflag:$0x1] =	stream.linear.gather [hbm4b:s6+s3], $0x2780, $0x38;
	[tilespmem:$0x1CC00] =	vst v63  }
0x14: {  	_ =	swait.ge [sflag:s10], $0x2780  }
0x15: {  	[sflag:s10] =	ssyncset.done $0x0  }
0x16: {  	[sflag:s10] =	ssyncadd.s32 $0xFFFFD880  }
0x17: {  	[spmem:s13], [sflag:s12] =	dma.local [hbm:s7], $0x2780  }
0x18: {  	_ =	swait.ge [sflag:s10], $0x2780  }
0x19: {  	[sflag:s10] =	ssyncset.done $0x0  }
0x1a: {  	[sflag:s10] =	ssyncadd.s32 $0xFFFFD880  }
0x1b: {  	s17 =	simm.s32 $0x0;
	[bflag:$0x0] =	sbarrier.arrive $0xFFFF  }
0x1c: {  	[tilespmem:s15], [sflag:$0x1] =	stream.indirect.gather [hbm4b:s4+s14], $0x80, s17, s14, $0xb8;
	[tilespmem:$0x1CC00] =	vst v63  }
0x1d: {  	_ =	swait.ge [sflag:s10], $0x4000  }
0x1e: {  	[sflag:s10] =	ssyncset.done $0x0  }
0x1f: {  	s31 =	simm.s32 $0x2800;
	[sflag:s10] =	ssyncadd.s32 $0xFFFFC000  }
0x20: {  	[spmem:s2] =	stream.indirect.scatter.add.f32 [tilespmem:s15], [sflag:$0x1], $0x80, s31, s14, $0xb8;
	[tilespmem:$0x1CC00] =	vst v63  }
0x21: {  	_ =	swait.ge [sflag:s10], $0x4000  }
0x22: {  	s18 =	simm.s32 $0x400;
	s17 =	simm.s32 $0x200;
	[sflag:s10] =	ssyncset.done $0x0  }
.LBB2_2:
0x23: {  	s19 =	sshra.s32 s17, $0x2  }
0x24: {  	[sflag:s10] =	ssyncadd.s32 $0xFFFFC000;
	s17 =	smov.u32 s18;
	s20 =	sadd.s32 $0x200, s18  }
0x25: {  	[tilespmem:s15], [sflag:$0x1] =	stream.indirect.gather [hbm4b:s4+s14], $0x80, s19, s14, $0xb8;
	[tilespmem:$0x1CC00] =	vst v63  }
0x26: {  	p0 =	sne.s32 s18, $0x9C00;
	_ =	swait.ge [sflag:s10], $0x4000  }
.Ltmp0:
0x27: {  	[sflag:s10] =	ssyncset.done $0x0;
	(pc) =	sbr.rel @p0 .LBB2_2-.Ltmp0, $4  }
0x28: {  	s18 =	sadd.s32 $0x2800, s19;
	[sflag:s10] =	ssyncadd.s32 $0xFFFFC000  }
0x29: {  	[spmem:s2] =	stream.indirect.scatter.add.f32 [tilespmem:s15], [sflag:$0x1], $0x80, s18, s14, $0xb8;
	[tilespmem:$0x1CC00] =	vst v63  }
0x2a: {  	_ =	swait.ge [sflag:s10], $0x4000  }
0x2b: {  	s18 =	smov.u32 s20;
	[sflag:s10] =	ssyncset.done $0x0  }
0x2c: {  	s17 =	sshra.s32 s17, $0x2;
	[sflag:s10] =	ssyncadd.s32 $0xFFFFC000  }
0x2d: {  	[tilespmem:s15], [sflag:$0x1] =	stream.indirect.gather [hbm4b:s4+s14], $0x80, s17, s14, $0xb8;
	[tilespmem:$0x1CC00] =	vst v63  }
0x2e: {  	_ =	swait.ge [sflag:s10], $0x4000  }
0x2f: {  	[sflag:s10] =	ssyncset.done $0x0  }
0x30: {  	s17 =	sadd.s32 $0x2800, s17;
	[sflag:s10] =	ssyncadd.s32 $0xFFFFC000  }
0x31: {  	[spmem:s2] =	stream.indirect.scatter.add.f32 [tilespmem:s15], [sflag:$0x1], $0x80, s17, s14, $0xb8;
	[tilespmem:$0x1CC00] =	vst v63  }
0x32: {  	_ =	swait.ge [sflag:s10], $0x4000  }
0x33: {  	s16 =	sadd.s32 $0x1, s16;
	[sflag:s10] =	ssyncset.done $0x0  }
0x34: {  	p0 =	sne.s32 s16, s9;
	[sflag:s10] =	ssyncadd.s32 $0xFFFFC000  }
.Ltmp1:
0x35: {  	[bflag:$0x0] =	sbarrier.arrive $0xFFFF;
	(pc) =	sbr.rel @p0 .LBB2_1-.Ltmp1, $4  }
0x36: {  	[hbm:s8], [sflag:s12] =	dma.local [spmem:s13], $0x2780  }
0x37: {  	_ =	swait.ge [sflag:s10], $0x2780  }
0x38: {  	[sflag:s10] =	ssyncset.done $0x0  }
0x39: {  	[sflag:s10] =	ssyncadd.s32 $0xFFFFD880  }
0x3a: {  	_ =	sfence.sel $0x180000  }
0x3b: {  	[bflag:$0x0] =	sbarrier.arrive $0xFFFF  }
0x3c: {  	p0 =	sne.s32 s0, $0x0;
	_ =	strace $0x90000047  }
0x3d: {  	s0 =	sadd.s32 @!p0 $0x100000, s1;
	[bflag:$0x2] =	sbarrier.arrive $0xFFFF  }
0x3e: {  	[sflag:s0] =	ssyncadd.tile.s32 @!p0 $0x1;
	_ =	shalt  }
.Lfunc_end2:
_tile_overlayer_lowered:
.L_overlay_start_2:
0x3f: {  	(tag) =	ssettag $0x2  }
0x40: {  	s0 =	rddreg [dreg:$0x0];
	s2 =	stileid.u32  }
0x41: {  	s1 =	rddreg [dreg:$0x1];
	p0 =	sne.s32 s2, $0x0  }
0x42: {  	s3 =	rddreg [dreg:$0x2];
	[bflag:$0x3] =	sbarrier.arrive $0xFFFF;
	s2 =	simm.s32 @!p0 $0x1C01  }
0x43: {  	[timem:s3], [sflag:s2] =	dma.local @!p0 [hbm:s0], s1  }
0x44: {  	s0 =	simm.s32 @!p0 $0x1  }
0x45: {  	_ =	swait.ge @!p0 [sflag:s0], s1  }
0x46: {  	s1 =	ssub.s32 @!p0 $0x0, s1;
	[sflag:s0] =	ssyncset.done @!p0 $0x0  }
0x47: {  	[sflag:s0] =	ssyncadd.s32 @!p0 s1  }
0x48: {  	[bflag:$0x3] =	sbarrier.arrive $0xFFFF  }
0x49: {  	_ =	shalt  }

</sc_bundles>
